<compile_context>
chip_gen: v7x
topology: tpu7x:2x2x1
jax: 0.10.2.dev20260603
libtpu: 0.0.44.dev20260713+nightly
codegen_flags: <defaults>
</compile_context>

<pallas_src>
import dataclasses

import jax
import jax.numpy as jnp
from jax import lax
from jax.experimental import pallas as pl
from jax.experimental.pallas import tpu as pltpu
from jax.experimental.pallas import tpu_sc as plsc

N, E, D, R, H = 10000, 320000, 128, 38, 4
HD = D // H
RPAD = 40

NC, NS, L = 2, 16, 16
NW = NC * NS
EW = E // NW
B = 80
NBLK = EW // B
B4 = 40
NBLK4 = EW // B4
NR = N // NS
ZR = 25
NZ = NR // ZR

_mesh = plsc.VectorSubcoreMesh(core_axis_name="c", subcore_axis_name="s")

_cp = pltpu.CompilerParams()
_fields = pltpu.CompilerParams.__dataclass_fields__
if "needs_layout_passes" in _fields:
    _cp = dataclasses.replace(_cp, needs_layout_passes=False)
if "use_tc_tiling_on_sc" in _fields:
    _cp = dataclasses.replace(_cp, use_tc_tiling_on_sc=False)


def _f32(shape):
    return jax.ShapeDtypeStruct(shape, jnp.float32)


def _k1_body(x_ref, w_ref, asrc_ref, adst_ref, rel_ref, arel_ref,
             h_ref, st_ref, sr_ref):
    h = jnp.dot(x_ref[...], w_ref[...], preferred_element_type=jnp.float32)
    h_ref[...] = h
    ss = jnp.dot(h, asrc_ref[...], preferred_element_type=jnp.float32)
    sd = jnp.dot(h, adst_ref[...], preferred_element_type=jnp.float32)
    st_ref[...] = jnp.concatenate([ss, sd], axis=1)
    sr_ref[...] = jnp.dot(rel_ref[...], arel_ref[...],
                          preferred_element_type=jnp.float32)


_k1 = pl.pallas_call(
    _k1_body,
    out_shape=(_f32((N, D)), _f32((N, 8)), _f32((R, H))),
)


def _k2_body(src_hbm, dst_hbm, et_hbm, sctab_hbm, srel_hbm,
             ex_hbm, dpart_hbm,
             sctab_v, srel_v, dtab_v,
             src0, dst0, et0, ex0, src1, dst1, et1, ex1,
             sem_in0, sem_in1, sem_e0, sem_e1):
    cid = lax.axis_index("c")
    sid = lax.axis_index("s")
    wid = cid * NS + sid

    srcs = (src0, src1)
    dsts = (dst0, dst1)
    ets = (et0, et1)
    exs = (ex0, ex1)
    sem_in = (sem_in0, sem_in1)
    sem_e = (sem_e0, sem_e1)

    pltpu.sync_copy(sctab_hbm, sctab_v)
    pltpu.sync_copy(srel_hbm, srel_v)

    zeros16 = jnp.zeros((L,), jnp.float32)

    @pl.loop(0, N * 4 // L)
    def _(i):
        dtab_v[pl.ds(i * L, L)] = zeros16

    lane = lax.iota(jnp.int32, L)

    def in_copies(blk, p):
        off = wid * EW + blk * B
        return (
            pltpu.make_async_copy(src_hbm.at[pl.ds(off, B)], srcs[p],
                                  sem_in[p]),
            pltpu.make_async_copy(dst_hbm.at[pl.ds(off, B)], dsts[p],
                                  sem_in[p]),
            pltpu.make_async_copy(et_hbm.at[pl.ds(off, B)], ets[p],
                                  sem_in[p]),
        )

    def ex_copy(blk, p):
        off = wid * EW + blk * B
        return pltpu.make_async_copy(
            exs[p], ex_hbm.at[pl.ds(off * 4, B * 4)], sem_e[p])

    def issue_in(blk, p):
        for c in in_copies(blk, p):
            c.start()

    def wait_in(blk, p):
        for c in in_copies(blk, p):
            c.wait()

    def compute(blk, p):
        @pl.when(blk >= 2)
        def _():
            ex_copy(blk - 2, p).wait()

        @pl.loop(0, B, step=L)
        def _(g):
            srcv = srcs[p][pl.ds(g, L)]
            dstv = dsts[p][pl.ds(g, L)]
            etv = ets[p][pl.ds(g, L)]
            rows = g + lane
            bs = srcv * 8
            bd = dstv * 8 + 4
            br = etv * 4
            for hh in range(H):
                a = plsc.load_gather(sctab_v, [bs + hh])
                b = plsc.load_gather(sctab_v, [bd + hh])
                c = plsc.load_gather(srel_v, [br + hh])
                al = a + b + c
                al = jnp.maximum(al, al * 0.2)
                ev = jnp.exp(al)
                plsc.store_scatter(exs[p], [rows * 4 + hh], ev)
                plsc.addupdate_scatter(dtab_v, [dstv + hh * N], ev)

        ex_copy(blk, p).start()

    issue_in(0, 0)
    issue_in(1, 1)

    @pl.loop(0, (NBLK - 1) // 2)
    def _(it):
        e0 = it * 2
        wait_in(e0, 0)
        compute(e0, 0)
        issue_in(e0 + 2, 0)

        wait_in(e0 + 1, 1)
        compute(e0 + 1, 1)

        @pl.when(e0 + 3 < NBLK)
        def _():
            issue_in(e0 + 3, 1)

    wait_in(NBLK - 1, 0)
    compute(NBLK - 1, 0)

    ex_copy(NBLK - 2, 1).wait()
    ex_copy(NBLK - 1, 0).wait()

    pltpu.sync_copy(dtab_v, dpart_hbm.at[wid])


@jax.jit
def _k2(src, dst, et, sctab, srel_pad):
    kfn = pl.kernel(
        _k2_body,
        out_type=(_f32((E * 4,)), _f32((NW, N * 4))),
        mesh=_mesh,
        scratch_types=[
            pltpu.VMEM((N * 8,), jnp.float32),
            pltpu.VMEM((RPAD * 4,), jnp.float32),
            pltpu.VMEM((N * 4,), jnp.float32),
            pltpu.VMEM((B,), jnp.int32),
            pltpu.VMEM((B,), jnp.int32),
            pltpu.VMEM((B,), jnp.int32),
            pltpu.VMEM((B * 4,), jnp.float32),
            pltpu.VMEM((B,), jnp.int32),
            pltpu.VMEM((B,), jnp.int32),
            pltpu.VMEM((B,), jnp.int32),
            pltpu.VMEM((B * 4,), jnp.float32),
            pltpu.SemaphoreType.DMA,
            pltpu.SemaphoreType.DMA,
            pltpu.SemaphoreType.DMA,
            pltpu.SemaphoreType.DMA,
        ],
        compiler_params=_cp,
    )
    return kfn(src, dst, et, sctab.reshape(N * 8), srel_pad.reshape(RPAD * 4))


def _k3_body(dp_ref, invd_ref):
    d = jnp.sum(dp_ref[...], axis=0)
    iv = jnp.transpose(1.0 / (d + 1e-16))
    invd_ref[...] = jnp.concatenate(
        [iv, jnp.zeros((N, 12), jnp.float32)], axis=1)


_k3 = pl.pallas_call(_k3_body, out_shape=_f32((N, 16)))


def _k4_body(src_hbm, dst_hbm, et_hbm, ex_hbm, invd_hbm, h_hbm, rel_hbm,
             attn_hbm, opart_hbm,
             rel_tab,
             src0, dst0, dsc0, et0, ex0, hsrc0, ivd0, attn0, msg0,
             src1, dst1, dsc1, et1, ex1, hsrc1, ivd1, attn1, msg1,
             zbuf_v, sem_in0, sem_in1, sem_g0, sem_g1,
             sem_a0, sem_a1, sem_s0, sem_s1, oacc_sh):
    cid = lax.axis_index("c")
    sid = lax.axis_index("s")
    wid = cid * NS + sid

    srcs = (src0, src1)
    dsts = (dst0, dst1)
    dscs = (dsc0, dsc1)
    ets = (et0, et1)
    exs = (ex0, ex1)
    hsrcs = (hsrc0, hsrc1)
    ivds = (ivd0, ivd1)
    attns = (attn0, attn1)
    msgs = (msg0, msg1)
    sem_in = (sem_in0, sem_in1)
    sem_g = (sem_g0, sem_g1)
    sem_a = (sem_a0, sem_a1)
    sem_s = (sem_s0, sem_s1)

    pltpu.sync_copy(rel_hbm, rel_tab)

    zeros16 = jnp.zeros((L,), jnp.float32)

    @pl.loop(0, ZR)
    def _(r):
        for cc in range(D // L):
            zbuf_v[r, pl.ds(cc * L, L)] = zeros16

    @pl.loop(0, NZ)
    def _(k):
        pltpu.sync_copy(zbuf_v, oacc_sh.at[pl.ds(sid * NR + k * ZR, ZR)])

    plsc.subcore_barrier()

    lane = lax.iota(jnp.int32, L)
    lane_d4 = lax.shift_right_logical(lane, 2)
    lane_m4 = jnp.bitwise_and(lane, 3)

    def in_copies(blk, p):
        off = wid * EW + blk * B4
        return (
            pltpu.make_async_copy(src_hbm.at[pl.ds(off, B4)], srcs[p],
                                  sem_in[p]),
            pltpu.make_async_copy(dst_hbm.at[pl.ds(off, B4)], dsts[p],
                                  sem_in[p]),
            pltpu.make_async_copy(et_hbm.at[pl.ds(off, B4)], ets[p],
                                  sem_in[p]),
            pltpu.make_async_copy(ex_hbm.at[pl.ds(off * 4, B4 * 4)], exs[p],
                                  sem_in[p]),
        )

    def g_copies(p):
        return (
            pltpu.make_async_copy(h_hbm.at[srcs[p]], hsrcs[p], sem_g[p]),
            pltpu.make_async_copy(invd_hbm.at[dsts[p]], ivds[p], sem_g[p]),
        )

    def attn_copy(blk, p):
        off = wid * EW + blk * B4
        return pltpu.make_async_copy(
            attns[p], attn_hbm.at[pl.ds(off * 4, B4 * 4)], sem_a[p])

    def issue_in(blk, p):
        for c in in_copies(blk, p):
            c.start()

    def wait_in(blk, p):
        for c in in_copies(blk, p):
            c.wait()

    def issue_g(p):
        for c in g_copies(p):
            c.start()

    def wait_g(p):
        for c in g_copies(p):
            c.wait()

    def drain_out(blk, p):
        @pl.when(blk >= 2)
        def _():
            attn_copy(blk - 2, p).wait()
            pltpu.make_async_copy(msgs[p], oacc_sh.at[dscs[p]],
                                  sem_s[p]).wait()

    def compute(blk, p):
        drain_out(blk, p)

        @pl.loop(0, B4 // 4)
        def _(g):
            iv = plsc.load_gather(ivds[p], [g * 4 + lane_d4, lane_m4])
            exv = exs[p][pl.ds(g * L, L)]
            attns[p][pl.ds(g * L, L)] = exv * iv

        attn_copy(blk, p).start()

        @pl.loop(0, B4 // 4)
        def _(g):
            at16 = attns[p][pl.ds(g * L, L)]
            et4 = plsc.load_gather(ets[p], [g * 4 + lane_d4])
            for el in range(4):
                e = g * 4 + el
                rb = jnp.broadcast_to(et4[el * 4], (L,)) * D + lane
                for hh in range(H):
                    sp = jnp.broadcast_to(at16[el * 4 + hh], (L,))
                    for cc in range(2):
                        col = hh * HD + cc * L
                        hv = hsrcs[p][e, pl.ds(col, L)]
                        rv = plsc.load_gather(rel_tab, [rb + col])
                        msgs[p][e, pl.ds(col, L)] = (hv + rv) * sp

        for o in (0, 16, B4 - L):
            dscs[p][pl.ds(o, L)] = dsts[p][pl.ds(o, L)]
        pltpu.async_copy(msgs[p], oacc_sh.at[dscs[p]], sem_s[p], add=True)

    issue_in(0, 0)
    issue_in(1, 1)
    wait_in(0, 0)
    issue_g(0)

    @pl.loop(0, NBLK4 // 2)
    def _(it):
        e0 = it * 2
        wait_in(e0 + 1, 1)
        issue_g(1)
        wait_g(0)
        compute(e0, 0)

        @pl.when(e0 + 2 < NBLK4)
        def _():
            issue_in(e0 + 2, 0)
            wait_in(e0 + 2, 0)
            issue_g(0)

        wait_g(1)
        compute(e0 + 1, 1)

        @pl.when(e0 + 3 < NBLK4)
        def _():
            issue_in(e0 + 3, 1)

    attn_copy(NBLK4 - 2, 0).wait()
    pltpu.make_async_copy(msgs[0], oacc_sh.at[dscs[0]], sem_s[0]).wait()
    attn_copy(NBLK4 - 1, 1).wait()
    pltpu.make_async_copy(msgs[1], oacc_sh.at[dscs[1]], sem_s[1]).wait()

    plsc.subcore_barrier()

    pltpu.sync_copy(oacc_sh.at[pl.ds(sid * NR, NR)],
                    opart_hbm.at[cid, pl.ds(sid * NR, NR)])


@jax.jit
def _k4(src, dst, et, ex, invd, h, rel_emb):
    buf_set = [
        pltpu.VMEM((B4,), jnp.int32),
        pltpu.VMEM((B4,), jnp.int32),
        pltpu.VMEM((B4,), jnp.int32),
        pltpu.VMEM((B4,), jnp.int32),
        pltpu.VMEM((B4 * 4,), jnp.float32),
        pltpu.VMEM((B4, D), jnp.float32),
        pltpu.VMEM((B4, 16), jnp.float32),
        pltpu.VMEM((B4 * 4,), jnp.float32),
        pltpu.VMEM((B4, D), jnp.float32),
    ]
    kfn = pl.kernel(
        _k4_body,
        out_type=(_f32((E * 4,)), _f32((NC, N, D))),
        mesh=_mesh,
        scratch_types=(
            [pltpu.VMEM((R * D,), jnp.float32)]
            + buf_set + buf_set
            + [
                pltpu.VMEM((ZR, D), jnp.float32),
                pltpu.SemaphoreType.DMA,
                pltpu.SemaphoreType.DMA,
                pltpu.SemaphoreType.DMA,
                pltpu.SemaphoreType.DMA,
                pltpu.SemaphoreType.DMA,
                pltpu.SemaphoreType.DMA,
                pltpu.SemaphoreType.DMA,
                pltpu.SemaphoreType.DMA,
                pltpu.VMEM_SHARED((N, D), jnp.float32),
            ]
        ),
        compiler_params=_cp,
    )
    return kfn(src, dst, et, ex, invd, h, rel_emb.reshape(R * D))


def _k5_body(op_ref, out_ref):
    out_ref[...] = jax.nn.gelu(op_ref[0] + op_ref[1])


_k5 = pl.pallas_call(_k5_body, out_shape=_f32((N, D)))


def _blockdiag(att):
    d = jnp.arange(D)
    return jnp.zeros((D, H), jnp.float32).at[d, d // HD].set(att.reshape(D))


@jax.jit
def kernel(x, edge_index, edge_type, W, rel_emb, att_src, att_dst, att_rel):
    src = edge_index[0]
    dst = edge_index[1]
    et = edge_type

    asrc = _blockdiag(att_src)
    adst = _blockdiag(att_dst)
    arel = _blockdiag(att_rel)

    h, sctab, srel = _k1(x, W, asrc, adst, rel_emb, arel)
    srel_pad = jnp.pad(srel, ((0, RPAD - R), (0, 0)))

    ex, dpart = _k2(src, dst, et, sctab, srel_pad)
    invd = _k3(dpart.reshape(NW, 4, N))
    attn_flat, opart = _k4(src, dst, et, ex, invd, h, rel_emb)
    out = _k5(opart)
    return out, attn_flat.reshape(E, H)

# --- scband reference (transcript-rebuilt; emitter-appended) ---
"""Pipeline reference for scband-kg-adapter-sent-rgat-71442486002206 (READ-ONLY COPY).

The authoritative reference and input builder live on the scoring server;
editing this copy changes nothing except your own understanding.
"""

import jax, jax.numpy as jnp
import numpy as np

N, E, D, R, H = 10000, 320000, 128, 38, 4
HD = D // H


def setup_inputs(seed: int = 0) -> dict:
    key = jax.random.key(seed)
    ks = jax.random.split(key, 8)
    x = jax.random.normal(ks[0], (N, D), dtype=jnp.float32)
    edge_index = jax.random.randint(ks[1], (2, E), 0, N, dtype=jnp.int32)
    edge_type = jax.random.randint(ks[2], (E,), 0, R, dtype=jnp.int32)
    W = jax.random.normal(ks[3], (D, D), dtype=jnp.float32) * (1.0 / np.sqrt(D))
    rel_emb = jax.random.normal(ks[4], (R, D), dtype=jnp.float32) * 0.02
    att_src = jax.random.normal(ks[5], (H, HD), dtype=jnp.float32) * 0.1
    att_dst = jax.random.normal(ks[6], (H, HD), dtype=jnp.float32) * 0.1
    att_rel = jax.random.normal(ks[7], (H, HD), dtype=jnp.float32) * 0.1
    return {"x": x, "edge_index": edge_index, "edge_type": edge_type,
            "W": W, "rel_emb": rel_emb, "att_src": att_src,
            "att_dst": att_dst, "att_rel": att_rel}


def reference(x, edge_index, edge_type, W, rel_emb, att_src, att_dst, att_rel):
    n = x.shape[0]
    h = (x @ W).reshape(n, H, HD)                       # [N, H, HD]
    src = edge_index[0]
    dst = edge_index[1]
    r = rel_emb[edge_type].reshape(-1, H, HD)            # [E, H, HD] relation embedding per edge
    h_src = h[src]                                       # gather [E, H, HD]
    h_dst = h[dst]                                       # gather [E, H, HD]
    alpha = (h_src * att_src).sum(-1) + (h_dst * att_dst).sum(-1) + (r * att_rel).sum(-1)  # [E, H]
    alpha = jax.nn.leaky_relu(alpha, negative_slope=0.2)
    amax = jax.ops.segment_max(alpha, dst, num_segments=n)
    amax = jnp.where(jnp.isfinite(amax), amax, 0.0)
    ex = jnp.exp(alpha - amax[dst])
    denom = jax.ops.segment_sum(ex, dst, num_segments=n)
    attn = ex / (denom[dst] + 1e-16)                     # [E, H] softmax over incoming edges
    msg = (h_src + r) * attn[..., None]                  # relation-aware message
    out = jax.ops.segment_sum(msg, dst, num_segments=n).reshape(n, D)
    out = jax.nn.gelu(out)                               # module applies GELU after conv1
    return (out, attn)                                   # (x, gat_attn_weights[1])

if __name__ == "__main__":
    import jax
    _d = setup_inputs()
    print(jax.jit(kernel)(*tuple(_d.values())))

</pallas_src>

<mosaic_0001>
#map = affine_map<(d0, d1) -> (0)>
#map1 = affine_map<(d0, d1) -> (0, 0)>
module attributes {stable_mosaic.version = 14 : i64} {
  func.func @_k2_body(%arg0: i32, %arg1: i32, %arg2: memref<320000xi32, #tpu.memory_space<hbm>>, %arg3: memref<320000xi32, #tpu.memory_space<hbm>>, %arg4: memref<320000xi32, #tpu.memory_space<hbm>>, %arg5: memref<80000xf32, #tpu.memory_space<hbm>>, %arg6: memref<160xf32, #tpu.memory_space<hbm>>, %arg7: memref<1280000xf32, #tpu.memory_space<hbm>>, %arg8: memref<32x40000xf32, #tpu.memory_space<hbm>>, %arg9: memref<80000xf32, #tpu.memory_space<vmem>>, %arg10: memref<160xf32, #tpu.memory_space<vmem>>, %arg11: memref<40000xf32, #tpu.memory_space<vmem>>, %arg12: memref<80xi32, #tpu.memory_space<vmem>>, %arg13: memref<80xi32, #tpu.memory_space<vmem>>, %arg14: memref<80xi32, #tpu.memory_space<vmem>>, %arg15: memref<320xf32, #tpu.memory_space<vmem>>, %arg16: memref<80xi32, #tpu.memory_space<vmem>>, %arg17: memref<80xi32, #tpu.memory_space<vmem>>, %arg18: memref<80xi32, #tpu.memory_space<vmem>>, %arg19: memref<320xf32, #tpu.memory_space<vmem>>, %arg20: memref<!tpu.dma_semaphore, #tpu.memory_space<semaphore_mem>>, %arg21: memref<!tpu.dma_semaphore, #tpu.memory_space<semaphore_mem>>, %arg22: memref<!tpu.dma_semaphore, #tpu.memory_space<semaphore_mem>>, %arg23: memref<!tpu.dma_semaphore, #tpu.memory_space<semaphore_mem>>) attributes {dimension_semantics = [#tpu.dimension_semantics<core_parallel>, #tpu.dimension_semantics<subcore_parallel>], iteration_bounds = array<i64: 2, 16>, scalar_prefetch = 0 : i64, scratch_operands = 15 : i64, tpu.core_type = #tpu.core_type<sc_vector_subcore>, window_params = [{transform_indices = #map}, {transform_indices = #map}, {transform_indices = #map}, {transform_indices = #map}, {transform_indices = #map}, {transform_indices = #map}, {transform_indices = #map1}]} {
    %mul3A = arith.constant 16 : i32
    %mul3A_0 = arith.muli %arg0, %mul3A : i32
    %add3A = arith.addi %mul3A_0, %arg1 : i32
    "tpu.region"() ({
      %run_scoped3A = tpu.sem_alloc : memref<!tpu.dma_semaphore, #tpu.memory_space<semaphore_mem>>
      tpu.enqueue_dma source(%arg5 : memref<80000xf32, #tpu.memory_space<hbm>>) target(%arg9 : memref<80000xf32, #tpu.memory_space<vmem>>) target_semaphore(%run_scoped3A : memref<!tpu.dma_semaphore, #tpu.memory_space<semaphore_mem>>)
      tpu.wait_dma2 semaphore(%run_scoped3A : memref<!tpu.dma_semaphore, #tpu.memory_space<semaphore_mem>>) src(%arg5 : memref<80000xf32, #tpu.memory_space<hbm>>) dst(%arg9 : memref<80000xf32, #tpu.memory_space<vmem>>)
      tpu.yield
    }) : () -> ()
    "tpu.region"() ({
      %run_scoped3A = tpu.sem_alloc : memref<!tpu.dma_semaphore, #tpu.memory_space<semaphore_mem>>
      tpu.enqueue_dma source(%arg6 : memref<160xf32, #tpu.memory_space<hbm>>) target(%arg10 : memref<160xf32, #tpu.memory_space<vmem>>) target_semaphore(%run_scoped3A : memref<!tpu.dma_semaphore, #tpu.memory_space<semaphore_mem>>)
      tpu.wait_dma2 semaphore(%run_scoped3A : memref<!tpu.dma_semaphore, #tpu.memory_space<semaphore_mem>>) src(%arg6 : memref<160xf32, #tpu.memory_space<hbm>>) dst(%arg10 : memref<160xf32, #tpu.memory_space<vmem>>)
      tpu.yield
    }) : () -> ()
    %broadcast_in_dim3A = arith.constant 0.000000e+00 : f32
    %broadcast_in_dim3A_1 = vector.broadcast %broadcast_in_dim3A : f32 to vector<16xf32>
    %scan3A = arith.constant 0 : i32
    %scan3A_2 = arith.constant 2500 : i32
    %scan3A_3 = arith.addi %scan3A, %scan3A_2 : i32
    %scan3A_4 = arith.constant 1 : i32
    scf.for %scan3A_76 = %scan3A to %scan3A_3 step %scan3A_4  : i32 {
      %mul3A_77 = arith.constant 1 : i32
      %mul3A_78 = arith.muli %scan3A_76, %mul3A_77 : i32
      %add3A_79 = arith.constant 0 : i32
      %add3A_80 = arith.addi %add3A_79, %mul3A_78 : i32
      %mul3A_81 = arith.constant 16 : i32
      %mul3A_82 = arith.muli %add3A_80, %mul3A_81 : i32
      %swap3A = arith.index_cast %mul3A_82 : i32 to index
      %swap3A_83 = tpu.vector_load %arg11[%swap3A] {strides = array<i32>} : memref<40000xf32, #tpu.memory_space<vmem>>, vector<16xf32>,
      tpu.vector_store %arg11[%swap3A], %broadcast_in_dim3A_1 {strides = array<i32>} : memref<40000xf32, #tpu.memory_space<vmem>>, vector<16xf32>,
    }
    %scan3A_5 = arith.constant 2500 : i32
    %iota3A = tpu.iota {dimensions = array<i32: 0>} : vector<16xi32>
    %mul3A_6 = arith.constant 10000 : i32
    %mul3A_7 = arith.muli %add3A, %mul3A_6 : i32
    %add3A_8 = arith.constant 0 : i32
    %add3A_9 = arith.addi %mul3A_7, %add3A_8 : i32
    %dma_start3A = tpu.memref_slice %arg2[%add3A_9] : memref<320000xi32, #tpu.memory_space<hbm>> -> memref<80xi32, #tpu.memory_space<hbm>>
    %dma_start3A_10 = tpu.memref_slice %arg2[%add3A_9] : memref<320000xi32, #tpu.memory_space<hbm>> -> memref<80xi32, #tpu.memory_space<hbm>>
    tpu.enqueue_dma source(%dma_start3A_10 : memref<80xi32, #tpu.memory_space<hbm>>) target(%arg12 : memref<80xi32, #tpu.memory_space<vmem>>) target_semaphore(%arg20 : memref<!tpu.dma_semaphore, #tpu.memory_space<semaphore_mem>>)
    %dma_start3A_11 = tpu.memref_slice %arg3[%add3A_9] : memref<320000xi32, #tpu.memory_space<hbm>> -> memref<80xi32, #tpu.memory_space<hbm>>
    %dma_start3A_12 = tpu.memref_slice %arg3[%add3A_9] : memref<320000xi32, #tpu.memory_space<hbm>> -> memref<80xi32, #tpu.memory_space<hbm>>
    tpu.enqueue_dma source(%dma_start3A_12 : memref<80xi32, #tpu.memory_space<hbm>>) target(%arg13 : memref<80xi32, #tpu.memory_space<vmem>>) target_semaphore(%arg20 : memref<!tpu.dma_semaphore, #tpu.memory_space<semaphore_mem>>)
    %dma_start3A_13 = tpu.memref_slice %arg4[%add3A_9] : memref<320000xi32, #tpu.memory_space<hbm>> -> memref<80xi32, #tpu.memory_space<hbm>>
    %dma_start3A_14 = tpu.memref_slice %arg4[%add3A_9] : memref<320000xi32, #tpu.memory_space<hbm>> -> memref<80xi32, #tpu.memory_space<hbm>>
    tpu.enqueue_dma source(%dma_start3A_14 : memref<80xi32, #tpu.memory_space<hbm>>) target(%arg14 : memref<80xi32, #tpu.memory_space<vmem>>) target_semaphore(%arg20 : memref<!tpu.dma_semaphore, #tpu.memory_space<semaphore_mem>>)
    %mul3A_15 = arith.constant 10000 : i32
    %mul3A_16 = arith.muli %add3A, %mul3A_15 : i32
    %add3A_17 = arith.constant 80 : i32
    %add3A_18 = arith.addi %mul3A_16, %add3A_17 : i32
    %dma_start3A_19 = tpu.memref_slice %arg2[%add3A_18] : memref<320000xi32, #tpu.memory_space<hbm>> -> memref<80xi32, #tpu.memory_space<hbm>>
    %dma_start3A_20 = tpu.memref_slice %arg2[%add3A_18] : memref<320000xi32, #tpu.memory_space<hbm>> -> memref<80xi32, #tpu.memory_space<hbm>>
    tpu.enqueue_dma source(%dma_start3A_20 : memref<80xi32, #tpu.memory_space<hbm>>) target(%arg16 : memref<80xi32, #tpu.memory_space<vmem>>) target_semaphore(%arg21 : memref<!tpu.dma_semaphore, #tpu.memory_space<semaphore_mem>>)
    %dma_start3A_21 = tpu.memref_slice %arg3[%add3A_18] : memref<320000xi32, #tpu.memory_space<hbm>> -> memref<80xi32, #tpu.memory_space<hbm>>
    %dma_start3A_22 = tpu.memref_slice %arg3[%add3A_18] : memref<320000xi32, #tpu.memory_space<hbm>> -> memref<80xi32, #tpu.memory_space<hbm>>
    tpu.enqueue_dma source(%dma_start3A_22 : memref<80xi32, #tpu.memory_space<hbm>>) target(%arg17 : memref<80xi32, #tpu.memory_space<vmem>>) target_semaphore(%arg21 : memref<!tpu.dma_semaphore, #tpu.memory_space<semaphore_mem>>)
    %dma_start3A_23 = tpu.memref_slice %arg4[%add3A_18] : memref<320000xi32, #tpu.memory_space<hbm>> -> memref<80xi32, #tpu.memory_space<hbm>>
    %dma_start3A_24 = tpu.memref_slice %arg4[%add3A_18] : memref<320000xi32, #tpu.memory_space<hbm>> -> memref<80xi32, #tpu.memory_space<hbm>>
    tpu.enqueue_dma source(%dma_start3A_24 : memref<80xi32, #tpu.memory_space<hbm>>) target(%arg18 : memref<80xi32, #tpu.memory_space<vmem>>) target_semaphore(%arg21 : memref<!tpu.dma_semaphore, #tpu.memory_space<semaphore_mem>>)
    %scan3A_25 = arith.constant 0 : i32
    %scan3A_26 = arith.constant 62 : i32
    %scan3A_27 = arith.addi %scan3A_25, %scan3A_26 : i32
    %scan3A_28 = arith.constant 1 : i32
    scf.for %scan3A_76 = %scan3A_25 to %scan3A_27 step %scan3A_28  : i32 {
      %mul3A_77 = arith.constant 1 : i32
      %mul3A_78 = arith.muli %scan3A_76, %mul3A_77 : i32
      %add3A_79 = arith.constant 0 : i32
      %add3A_80 = arith.addi %add3A_79, %mul3A_78 : i32
      %mul3A_81 = arith.constant 2 : i32
      %mul3A_82 = arith.muli %add3A_80, %mul3A_81 : i32
      %mul3A_83 = arith.constant 10000 : i32
      %mul3A_84 = arith.muli %add3A, %mul3A_83 : i32
      %mul3A_85 = arith.constant 80 : i32
      %mul3A_86 = arith.muli %mul3A_82, %mul3A_85 : i32
      %add3A_87 = arith.addi %mul3A_84, %mul3A_86 : i32
      %dma_wait3A_88 = tpu.memref_slice %arg2[%add3A_87] : memref<320000xi32, #tpu.memory_space<hbm>> -> memref<80xi32, #tpu.memory_space<hbm>>
      %dma_wait3A_89 = tpu.memref_slice %arg2[%add3A_87] : memref<320000xi32, #tpu.memory_space<hbm>> -> memref<80xi32, #tpu.memory_space<hbm>>
      tpu.wait_dma2 semaphore(%arg20 : memref<!tpu.dma_semaphore, #tpu.memory_space<semaphore_mem>>) src(%dma_wait3A_89 : memref<80xi32, #tpu.memory_space<hbm>>) dst(%arg12 : memref<80xi32, #tpu.memory_space<vmem>>)
      %dma_wait3A_90 = tpu.memref_slice %arg3[%add3A_87] : memref<320000xi32, #tpu.memory_space<hbm>> -> memref<80xi32, #tpu.memory_space<hbm>>
      %dma_wait3A_91 = tpu.memref_slice %arg3[%add3A_87] : memref<320000xi32, #tpu.memory_space<hbm>> -> memref<80xi32, #tpu.memory_space<hbm>>
      tpu.wait_dma2 semaphore(%arg20 : memref<!tpu.dma_semaphore, #tpu.memory_space<semaphore_mem>>) src(%dma_wait3A_91 : memref<80xi32, #tpu.memory_space<hbm>>) dst(%arg13 : memref<80xi32, #tpu.memory_space<vmem>>)
      %dma_wait3A_92 = tpu.memref_slice %arg4[%add3A_87] : memref<320000xi32, #tpu.memory_space<hbm>> -> memref<80xi32, #tpu.memory_space<hbm>>
      %dma_wait3A_93 = tpu.memref_slice %arg4[%add3A_87] : memref<320000xi32, #tpu.memory_space<hbm>> -> memref<80xi32, #tpu.memory_space<hbm>>
      tpu.wait_dma2 semaphore(%arg20 : memref<!tpu.dma_semaphore, #tpu.memory_space<semaphore_mem>>) src(%dma_wait3A_93 : memref<80xi32, #tpu.memory_space<hbm>>) dst(%arg14 : memref<80xi32, #tpu.memory_space<vmem>>)
      %ge3A = arith.constant 2 : i32
      %ge3A_94 = arith.cmpi sge, %mul3A_82, %ge3A : i32
      %convert_element_type3A = arith.extui %ge3A_94 : i1 to i32
      %cond3A = arith.constant 0 : i32
      %cond3A_95 = arith.cmpi ne, %convert_element_type3A, %cond3A : i32
      scf.if %cond3A_95 {
        %sub3A = arith.constant 2 : i32
        %sub3A_163 = arith.subi %mul3A_82, %sub3A : i32
        %mul3A_164 = arith.constant 10000 : i32
        %mul3A_165 = arith.muli %add3A, %mul3A_164 : i32
        %mul3A_166 = arith.constant 80 : i32
        %mul3A_167 = arith.muli %sub3A_163, %mul3A_166 : i32
        %add3A_168 = arith.addi %mul3A_165, %mul3A_167 : i32
        %mul3A_169 = arith.constant 4 : i32
        %mul3A_170 = arith.muli %add3A_168, %mul3A_169 : i32
        %dma_wait3A_171 = tpu.memref_slice %arg7[%mul3A_170] : memref<1280000xf32, #tpu.memory_space<hbm>> -> memref<320xf32, #tpu.memory_space<hbm>>
        %dma_wait3A_172 = tpu.memref_slice %arg7[%mul3A_170] : memref<1280000xf32, #tpu.memory_space<hbm>> -> memref<320xf32, #tpu.memory_space<hbm>>
        tpu.wait_dma2 semaphore(%arg22 : memref<!tpu.dma_semaphore, #tpu.memory_space<semaphore_mem>>) src(%arg15 : memref<320xf32, #tpu.memory_space<vmem>>) dst(%dma_wait3A_172 : memref<320xf32, #tpu.memory_space<hbm>>)
      } else {
      }
      %scan3A_96 = arith.constant 0 : i32
      %scan3A_97 = arith.constant 5 : i32
      %scan3A_98 = arith.addi %scan3A_96, %scan3A_97 : i32
      %scan3A_99 = arith.constant 1 : i32
      scf.for %scan3A_163 = %scan3A_96 to %scan3A_98 step %scan3A_99  : i32 {
        %mul3A_164 = arith.constant 16 : i32
        %mul3A_165 = arith.muli %scan3A_163, %mul3A_164 : i32
        %add3A_166 = arith.constant 0 : i32
        %add3A_167 = arith.addi %add3A_166, %mul3A_165 : i32
        %get3A = arith.index_cast %add3A_167 : i32 to index
        %get3A_168 = tpu.vector_load %arg12[%get3A] {strides = array<i32>} : memref<80xi32, #tpu.memory_space<vmem>>, vector<16xi32>,
        %get3A_169 = arith.index_cast %add3A_167 : i32 to index
        %get3A_170 = tpu.vector_load %arg13[%get3A_169] {strides = array<i32>} : memref<80xi32, #tpu.memory_space<vmem>>, vector<16xi32>,
        %get3A_171 = arith.index_cast %add3A_167 : i32 to index
        %get3A_172 = tpu.vector_load %arg14[%get3A_171] {strides = array<i32>} : memref<80xi32, #tpu.memory_space<vmem>>, vector<16xi32>,
        %add3A_173 = vector.broadcast %add3A_167 : i32 to vector<16xi32>
        %add3A_174 = arith.addi %add3A_173, %iota3A : vector<16xi32>
        %mul3A_175 = arith.constant 8 : i32
        %mul3A_176 = vector.broadcast %mul3A_175 : i32 to vector<16xi32>
        %mul3A_177 = arith.muli %get3A_168, %mul3A_176 : vector<16xi32>
        %mul3A_178 = arith.constant 8 : i32
        %mul3A_179 = vector.broadcast %mul3A_178 : i32 to vector<16xi32>
        %mul3A_180 = arith.muli %get3A_170, %mul3A_179 : vector<16xi32>
        %add3A_181 = arith.constant 4 : i32
        %add3A_182 = vector.broadcast %add3A_181 : i32 to vector<16xi32>
        %add3A_183 = arith.addi %mul3A_180, %add3A_182 : vector<16xi32>
        %mul3A_184 = arith.constant 4 : i32
        %mul3A_185 = vector.broadcast %mul3A_184 : i32 to vector<16xi32>
        %mul3A_186 = arith.muli %get3A_172, %mul3A_185 : vector<16xi32>
        %add3A_187 = arith.constant 0 : i32
        %add3A_188 = vector.broadcast %add3A_187 : i32 to vector<16xi32>
        %add3A_189 = arith.addi %mul3A_177, %add3A_188 : vector<16xi32>
        %gather3A = tpu.vector_load_idx %arg9[%add3A_189] : memref<80000xf32, #tpu.memory_space<vmem>>[vector<16xi32>], vector<16xf32>,
        %add3A_190 = arith.constant 0 : i32
        %add3A_191 = vector.broadcast %add3A_190 : i32 to vector<16xi32>
        %add3A_192 = arith.addi %add3A_183, %add3A_191 : vector<16xi32>
        %gather3A_193 = tpu.vector_load_idx %arg9[%add3A_192] : memref<80000xf32, #tpu.memory_space<vmem>>[vector<16xi32>], vector<16xf32>,
        %add3A_194 = arith.constant 0 : i32
        %add3A_195 = vector.broadcast %add3A_194 : i32 to vector<16xi32>
        %add3A_196 = arith.addi %mul3A_186, %add3A_195 : vector<16xi32>
        %gather3A_197 = tpu.vector_load_idx %arg10[%add3A_196] : memref<160xf32, #tpu.memory_space<vmem>>[vector<16xi32>], vector<16xf32>,
        %add3A_198 = arith.addf %gather3A, %gather3A_193 : vector<16xf32>
        %add3A_199 = arith.addf %add3A_198, %gather3A_197 : vector<16xf32>
        %mul3A_200 = arith.constant 2.000000e-01 : f32
        %mul3A_201 = vector.broadcast %mul3A_200 : f32 to vector<16xf32>
        %mul3A_202 = arith.mulf %add3A_199, %mul3A_201 : vector<16xf32>
        %max3A = arith.maximumf %add3A_199, %mul3A_202 : vector<16xf32>
        %exp3A = math.exp %max3A : vector<16xf32>
        %mul3A_203 = arith.constant 4 : i32
        %mul3A_204 = vector.broadcast %mul3A_203 : i32 to vector<16xi32>
        %mul3A_205 = arith.muli %add3A_174, %mul3A_204 : vector<16xi32>
        %add3A_206 = arith.constant 0 : i32
        %add3A_207 = vector.broadcast %add3A_206 : i32 to vector<16xi32>
        %add3A_208 = arith.addi %mul3A_205, %add3A_207 : vector<16xi32>
        tpu.vector_store_idx %arg15[%add3A_208], %exp3A : memref<320xf32, #tpu.memory_space<vmem>>[vector<16xi32>], vector<16xf32>,
        %add3A_209 = arith.constant 0 : i32
        %add3A_210 = vector.broadcast %add3A_209 : i32 to vector<16xi32>
        %add3A_211 = arith.addi %get3A_170, %add3A_210 : vector<16xi32>
        tpu.vector_store_idx %arg11[%add3A_211], %exp3A {add = true} : memref<40000xf32, #tpu.memory_space<vmem>>[vector<16xi32>], vector<16xf32>,
        %add3A_212 = arith.constant 1 : i32
        %add3A_213 = vector.broadcast %add3A_212 : i32 to vector<16xi32>
        %add3A_214 = arith.addi %mul3A_177, %add3A_213 : vector<16xi32>
        %gather3A_215 = tpu.vector_load_idx %arg9[%add3A_214] : memref<80000xf32, #tpu.memory_space<vmem>>[vector<16xi32>], vector<16xf32>,
        %add3A_216 = arith.constant 1 : i32
        %add3A_217 = vector.broadcast %add3A_216 : i32 to vector<16xi32>
        %add3A_218 = arith.addi %add3A_183, %add3A_217 : vector<16xi32>
        %gather3A_219 = tpu.vector_load_idx %arg9[%add3A_218] : memref<80000xf32, #tpu.memory_space<vmem>>[vector<16xi32>], vector<16xf32>,
        %add3A_220 = arith.constant 1 : i32
        %add3A_221 = vector.broadcast %add3A_220 : i32 to vector<16xi32>
        %add3A_222 = arith.addi %mul3A_186, %add3A_221 : vector<16xi32>
        %gather3A_223 = tpu.vector_load_idx %arg10[%add3A_222] : memref<160xf32, #tpu.memory_space<vmem>>[vector<16xi32>], vector<16xf32>,
        %add3A_224 = arith.addf %gather3A_215, %gather3A_219 : vector<16xf32>
        %add3A_225 = arith.addf %add3A_224, %gather3A_223 : vector<16xf32>
        %mul3A_226 = arith.constant 2.000000e-01 : f32
        %mul3A_227 = vector.broadcast %mul3A_226 : f32 to vector<16xf32>
        %mul3A_228 = arith.mulf %add3A_225, %mul3A_227 : vector<16xf32>
        %max3A_229 = arith.maximumf %add3A_225, %mul3A_228 : vector<16xf32>
        %exp3A_230 = math.exp %max3A_229 : vector<16xf32>
        %mul3A_231 = arith.constant 4 : i32
        %mul3A_232 = vector.broadcast %mul3A_231 : i32 to vector<16xi32>
        %mul3A_233 = arith.muli %add3A_174, %mul3A_232 : vector<16xi32>
        %add3A_234 = arith.constant 1 : i32
        %add3A_235 = vector.broadcast %add3A_234 : i32 to vector<16xi32>
        %add3A_236 = arith.addi %mul3A_233, %add3A_235 : vector<16xi32>
        tpu.vector_store_idx %arg15[%add3A_236], %exp3A_230 : memref<320xf32, #tpu.memory_space<vmem>>[vector<16xi32>], vector<16xf32>,
        %add3A_237 = arith.constant 10000 : i32
        %add3A_238 = vector.broadcast %add3A_237 : i32 to vector<16xi32>
        %add3A_239 = arith.addi %get3A_170, %add3A_238 : vector<16xi32>
        tpu.vector_store_idx %arg11[%add3A_239], %exp3A_230 {add = true} : memref<40000xf32, #tpu.memory_space<vmem>>[vector<16xi32>], vector<16xf32>,
        %add3A_240 = arith.constant 2 : i32
        %add3A_241 = vector.broadcast %add3A_240 : i32 to vector<16xi32>
        %add3A_242 = arith.addi %mul3A_177, %add3A_241 : vector<16xi32>
        %gather3A_243 = tpu.vector_load_idx %arg9[%add3A_242] : memref<80000xf32, #tpu.memory_space<vmem>>[vector<16xi32>], vector<16xf32>,
        %add3A_244 = arith.constant 2 : i32
        %add3A_245 = vector.broadcast %add3A_244 : i32 to vector<16xi32>
        %add3A_246 = arith.addi %add3A_183, %add3A_245 : vector<16xi32>
        %gather3A_247 = tpu.vector_load_idx %arg9[%add3A_246] : memref<80000xf32, #tpu.memory_space<vmem>>[vector<16xi32>], vector<16xf32>,
        %add3A_248 = arith.constant 2 : i32
        %add3A_249 = vector.broadcast %add3A_248 : i32 to vector<16xi32>
        %add3A_250 = arith.addi %mul3A_186, %add3A_249 : vector<16xi32>
        %gather3A_251 = tpu.vector_load_idx %arg10[%add3A_250] : memref<160xf32, #tpu.memory_space<vmem>>[vector<16xi32>], vector<16xf32>,
        %add3A_252 = arith.addf %gather3A_243, %gather3A_247 : vector<16xf32>
        %add3A_253 = arith.addf %add3A_252, %gather3A_251 : vector<16xf32>
        %mul3A_254 = arith.constant 2.000000e-01 : f32
        %mul3A_255 = vector.broadcast %mul3A_254 : f32 to vector<16xf32>
        %mul3A_256 = arith.mulf %add3A_253, %mul3A_255 : vector<16xf32>
        %max3A_257 = arith.maximumf %add3A_253, %mul3A_256 : vector<16xf32>
        %exp3A_258 = math.exp %max3A_257 : vector<16xf32>
        %mul3A_259 = arith.constant 4 : i32
        %mul3A_260 = vector.broadcast %mul3A_259 : i32 to vector<16xi32>
        %mul3A_261 = arith.muli %add3A_174, %mul3A_260 : vector<16xi32>
        %add3A_262 = arith.constant 2 : i32
        %add3A_263 = vector.broadcast %add3A_262 : i32 to vector<16xi32>
        %add3A_264 = arith.addi %mul3A_261, %add3A_263 : vector<16xi32>
        tpu.vector_store_idx %arg15[%add3A_264], %exp3A_258 : memref<320xf32, #tpu.memory_space<vmem>>[vector<16xi32>], vector<16xf32>,
        %add3A_265 = arith.constant 20000 : i32
        %add3A_266 = vector.broadcast %add3A_265 : i32 to vector<16xi32>
        %add3A_267 = arith.addi %get3A_170, %add3A_266 : vector<16xi32>
        tpu.vector_store_idx %arg11[%add3A_267], %exp3A_258 {add = true} : memref<40000xf32, #tpu.memory_space<vmem>>[vector<16xi32>], vector<16xf32>,
        %add3A_268 = arith.constant 3 : i32
        %add3A_269 = vector.broadcast %add3A_268 : i32 to vector<16xi32>
        %add3A_270 = arith.addi %mul3A_177, %add3A_269 : vector<16xi32>
        %gather3A_271 = tpu.vector_load_idx %arg9[%add3A_270] : memref<80000xf32, #tpu.memory_space<vmem>>[vector<16xi32>], vector<16xf32>,
        %add3A_272 = arith.constant 3 : i32
        %add3A_273 = vector.broadcast %add3A_272 : i32 to vector<16xi32>
        %add3A_274 = arith.addi %add3A_183, %add3A_273 : vector<16xi32>
        %gather3A_275 = tpu.vector_load_idx %arg9[%add3A_274] : memref<80000xf32, #tpu.memory_space<vmem>>[vector<16xi32>], vector<16xf32>,
        %add3A_276 = arith.constant 3 : i32
        %add3A_277 = vector.broadcast %add3A_276 : i32 to vector<16xi32>
        %add3A_278 = arith.addi %mul3A_186, %add3A_277 : vector<16xi32>
        %gather3A_279 = tpu.vector_load_idx %arg10[%add3A_278] : memref<160xf32, #tpu.memory_space<vmem>>[vector<16xi32>], vector<16xf32>,
        %add3A_280 = arith.addf %gather3A_271, %gather3A_275 : vector<16xf32>
        %add3A_281 = arith.addf %add3A_280, %gather3A_279 : vector<16xf32>
        %mul3A_282 = arith.constant 2.000000e-01 : f32
        %mul3A_283 = vector.broadcast %mul3A_282 : f32 to vector<16xf32>
        %mul3A_284 = arith.mulf %add3A_281, %mul3A_283 : vector<16xf32>
        %max3A_285 = arith.maximumf %add3A_281, %mul3A_284 : vector<16xf32>
        %exp3A_286 = math.exp %max3A_285 : vector<16xf32>
        %mul3A_287 = arith.constant 4 : i32
        %mul3A_288 = vector.broadcast %mul3A_287 : i32 to vector<16xi32>
        %mul3A_289 = arith.muli %add3A_174, %mul3A_288 : vector<16xi32>
        %add3A_290 = arith.constant 3 : i32
        %add3A_291 = vector.broadcast %add3A_290 : i32 to vector<16xi32>
        %add3A_292 = arith.addi %mul3A_289, %add3A_291 : vector<16xi32>
        tpu.vector_store_idx %arg15[%add3A_292], %exp3A_286 : memref<320xf32, #tpu.memory_space<vmem>>[vector<16xi32>], vector<16xf32>,
        %add3A_293 = arith.constant 30000 : i32
        %add3A_294 = vector.broadcast %add3A_293 : i32 to vector<16xi32>
        %add3A_295 = arith.addi %get3A_170, %add3A_294 : vector<16xi32>
        tpu.vector_store_idx %arg11[%add3A_295], %exp3A_286 {add = true} : memref<40000xf32, #tpu.memory_space<vmem>>[vector<16xi32>], vector<16xf32>,
      }
      %scan3A_100 = arith.constant 5 : i32
      %mul3A_101 = arith.constant 10000 : i32
      %mul3A_102 = arith.muli %add3A, %mul3A_101 : i32
      %mul3A_103 = arith.constant 80 : i32
      %mul3A_104 = arith.muli %mul3A_82, %mul3A_103 : i32
      %add3A_105 = arith.addi %mul3A_102, %mul3A_104 : i32
      %mul3A_106 = arith.constant 4 : i32
      %mul3A_107 = arith.muli %add3A_105, %mul3A_106 : i32
      %dma_start3A_108 = tpu.memref_slice %arg7[%mul3A_107] : memref<1280000xf32, #tpu.memory_space<hbm>> -> memref<320xf32, #tpu.memory_space<hbm>>
      %dma_start3A_109 = tpu.memref_slice %arg7[%mul3A_107] : memref<1280000xf32, #tpu.memory_space<hbm>> -> memref<320xf32, #tpu.memory_space<hbm>>
      tpu.enqueue_dma source(%arg15 : memref<320xf32, #tpu.memory_space<vmem>>) target(%dma_start3A_109 : memref<320xf32, #tpu.memory_space<hbm>>) target_semaphore(%arg22 : memref<!tpu.dma_semaphore, #tpu.memory_space<semaphore_mem>>)
      %add3A_110 = arith.constant 2 : i32
      %add3A_111 = arith.addi %mul3A_82, %add3A_110 : i32
      %mul3A_112 = arith.constant 10000 : i32
      %mul3A_113 = arith.muli %add3A, %mul3A_112 : i32
      %mul3A_114 = arith.constant 80 : i32
      %mul3A_115 = arith.muli %add3A_111, %mul3A_114 : i32
      %add3A_116 = arith.addi %mul3A_113, %mul3A_115 : i32
      %dma_start3A_117 = tpu.memref_slice %arg2[%add3A_116] : memref<320000xi32, #tpu.memory_space<hbm>> -> memref<80xi32, #tpu.memory_space<hbm>>
      %dma_start3A_118 = tpu.memref_slice %arg2[%add3A_116] : memref<320000xi32, #tpu.memory_space<hbm>> -> memref<80xi32, #tpu.memory_space<hbm>>
      tpu.enqueue_dma source(%dma_start3A_118 : memref<80xi32, #tpu.memory_space<hbm>>) target(%arg12 : memref<80xi32, #tpu.memory_space<vmem>>) target_semaphore(%arg20 : memref<!tpu.dma_semaphore, #tpu.memory_space<semaphore_mem>>)
      %dma_start3A_119 = tpu.memref_slice %arg3[%add3A_116] : memref<320000xi32, #tpu.memory_space<hbm>> -> memref<80xi32, #tpu.memory_space<hbm>>
      %dma_start3A_120 = tpu.memref_slice %arg3[%add3A_116] : memref<320000xi32, #tpu.memory_space<hbm>> -> memref<80xi32, #tpu.memory_space<hbm>>
      tpu.enqueue_dma source(%dma_start3A_120 : memref<80xi32, #tpu.memory_space<hbm>>) target(%arg13 : memref<80xi32, #tpu.memory_space<vmem>>) target_semaphore(%arg20 : memref<!tpu.dma_semaphore, #tpu.memory_space<semaphore_mem>>)
      %dma_start3A_121 = tpu.memref_slice %arg4[%add3A_116] : memref<320000xi32, #tpu.memory_space<hbm>> -> memref<80xi32, #tpu.memory_space<hbm>>
      %dma_start3A_122 = tpu.memref_slice %arg4[%add3A_116] : memref<320000xi32, #tpu.memory_space<hbm>> -> memref<80xi32, #tpu.memory_space<hbm>>
      tpu.enqueue_dma source(%dma_start3A_122 : memref<80xi32, #tpu.memory_space<hbm>>) target(%arg14 : memref<80xi32, #tpu.memory_space<vmem>>) target_semaphore(%arg20 : memref<!tpu.dma_semaphore, #tpu.memory_space<semaphore_mem>>)
      %add3A_123 = arith.constant 1 : i32
      %add3A_124 = arith.addi %mul3A_82, %add3A_123 : i32
      %mul3A_125 = arith.constant 10000 : i32
      %mul3A_126 = arith.muli %add3A, %mul3A_125 : i32
      %mul3A_127 = arith.constant 80 : i32
      %mul3A_128 = arith.muli %add3A_124, %mul3A_127 : i32
      %add3A_129 = arith.addi %mul3A_126, %mul3A_128 : i32
      %dma_wait3A_130 = tpu.memref_slice %arg2[%add3A_129] : memref<320000xi32, #tpu.memory_space<hbm>> -> memref<80xi32, #tpu.memory_space<hbm>>
      %dma_wait3A_131 = tpu.memref_slice %arg2[%add3A_129] : memref<320000xi32, #tpu.memory_space<hbm>> -> memref<80xi32, #tpu.memory_space<hbm>>
      tpu.wait_dma2 semaphore(%arg21 : memref<!tpu.dma_semaphore, #tpu.memory_space<semaphore_mem>>) src(%dma_wait3A_131 : memref<80xi32, #tpu.memory_space<hbm>>) dst(%arg16 : memref<80xi32, #tpu.memory_space<vmem>>)
      %dma_wait3A_132 = tpu.memref_slice %arg3[%add3A_129] : memref<320000xi32, #tpu.memory_space<hbm>> -> memref<80xi32, #tpu.memory_space<hbm>>
      %dma_wait3A_133 = tpu.memref_slice %arg3[%add3A_129] : memref<320000xi32, #tpu.memory_space<hbm>> -> memref<80xi32, #tpu.memory_space<hbm>>
      tpu.wait_dma2 semaphore(%arg21 : memref<!tpu.dma_semaphore, #tpu.memory_space<semaphore_mem>>) src(%dma_wait3A_133 : memref<80xi32, #tpu.memory_space<hbm>>) dst(%arg17 : memref<80xi32, #tpu.memory_space<vmem>>)
      %dma_wait3A_134 = tpu.memref_slice %arg4[%add3A_129] : memref<320000xi32, #tpu.memory_space<hbm>> -> memref<80xi32, #tpu.memory_space<hbm>>
      %dma_wait3A_135 = tpu.memref_slice %arg4[%add3A_129] : memref<320000xi32, #tpu.memory_space<hbm>> -> memref<80xi32, #tpu.memory_space<hbm>>
      tpu.wait_dma2 semaphore(%arg21 : memref<!tpu.dma_semaphore, #tpu.memory_space<semaphore_mem>>) src(%dma_wait3A_135 : memref<80xi32, #tpu.memory_space<hbm>>) dst(%arg18 : memref<80xi32, #tpu.memory_space<vmem>>)
      %add3A_136 = arith.constant 1 : i32
      %add3A_137 = arith.addi %mul3A_82, %add3A_136 : i32
      %ge3A_138 = arith.constant 2 : i32
      %ge3A_139 = arith.cmpi sge, %add3A_137, %ge3A_138 : i32
      %convert_element_type3A_140 = arith.extui %ge3A_139 : i1 to i32
      %cond3A_141 = arith.constant 0 : i32
      %cond3A_142 = arith.cmpi ne, %convert_element_type3A_140, %cond3A_141 : i32
      scf.if %cond3A_142 {
        %sub3A = arith.constant 2 : i32
        %sub3A_163 = arith.subi %add3A_137, %sub3A : i32
        %mul3A_164 = arith.constant 10000 : i32
        %mul3A_165 = arith.muli %add3A, %mul3A_164 : i32
        %mul3A_166 = arith.constant 80 : i32
        %mul3A_167 = arith.muli %sub3A_163, %mul3A_166 : i32
        %add3A_168 = arith.addi %mul3A_165, %mul3A_167 : i32
        %mul3A_169 = arith.constant 4 : i32
        %mul3A_170 = arith.muli %add3A_168, %mul3A_169 : i32
        %dma_wait3A_171 = tpu.memref_slice %arg7[%mul3A_170] : memref<1280000xf32, #tpu.memory_space<hbm>> -> memref<320xf32, #tpu.memory_space<hbm>>
        %dma_wait3A_172 = tpu.memref_slice %arg7[%mul3A_170] : memref<1280000xf32, #tpu.memory_space<hbm>> -> memref<320xf32, #tpu.memory_space<hbm>>
        tpu.wait_dma2 semaphore(%arg23 : memref<!tpu.dma_semaphore, #tpu.memory_space<semaphore_mem>>) src(%arg19 : memref<320xf32, #tpu.memory_space<vmem>>) dst(%dma_wait3A_172 : memref<320xf32, #tpu.memory_space<hbm>>)
      } else {
      }
      %scan3A_143 = arith.constant 0 : i32
      %scan3A_144 = arith.constant 5 : i32
      %scan3A_145 = arith.addi %scan3A_143, %scan3A_144 : i32
      %scan3A_146 = arith.constant 1 : i32
      scf.for %scan3A_163 = %scan3A_143 to %scan3A_145 step %scan3A_146  : i32 {
        %mul3A_164 = arith.constant 16 : i32
        %mul3A_165 = arith.muli %scan3A_163, %mul3A_164 : i32
        %add3A_166 = arith.constant 0 : i32
        %add3A_167 = arith.addi %add3A_166, %mul3A_165 : i32
        %get3A = arith.index_cast %add3A_167 : i32 to index
        %get3A_168 = tpu.vector_load %arg16[%get3A] {strides = array<i32>} : memref<80xi32, #tpu.memory_space<vmem>>, vector<16xi32>,
        %get3A_169 = arith.index_cast %add3A_167 : i32 to index
        %get3A_170 = tpu.vector_load %arg17[%get3A_169] {strides = array<i32>} : memref<80xi32, #tpu.memory_space<vmem>>, vector<16xi32>,
        %get3A_171 = arith.index_cast %add3A_167 : i32 to index
        %get3A_172 = tpu.vector_load %arg18[%get3A_171] {strides = array<i32>} : memref<80xi32, #tpu.memory_space<vmem>>, vector<16xi32>,
        %add3A_173 = vector.broadcast %add3A_167 : i32 to vector<16xi32>
        %add3A_174 = arith.addi %add3A_173, %iota3A : vector<16xi32>
        %mul3A_175 = arith.constant 8 : i32
        %mul3A_176 = vector.broadcast %mul3A_175 : i32 to vector<16xi32>
        %mul3A_177 = arith.muli %get3A_168, %mul3A_176 : vector<16xi32>
        %mul3A_178 = arith.constant 8 : i32
        %mul3A_179 = vector.broadcast %mul3A_178 : i32 to vector<16xi32>
        %mul3A_180 = arith.muli %get3A_170, %mul3A_179 : vector<16xi32>
        %add3A_181 = arith.constant 4 : i32
        %add3A_182 = vector.broadcast %add3A_181 : i32 to vector<16xi32>
        %add3A_183 = arith.addi %mul3A_180, %add3A_182 : vector<16xi32>
        %mul3A_184 = arith.constant 4 : i32
        %mul3A_185 = vector.broadcast %mul3A_184 : i32 to vector<16xi32>
        %mul3A_186 = arith.muli %get3A_172, %mul3A_185 : vector<16xi32>
        %add3A_187 = arith.constant 0 : i32
        %add3A_188 = vector.broadcast %add3A_187 : i32 to vector<16xi32>
        %add3A_189 = arith.addi %mul3A_177, %add3A_188 : vector<16xi32>
        %gather3A = tpu.vector_load_idx %arg9[%add3A_189] : memref<80000xf32, #tpu.memory_space<vmem>>[vector<16xi32>], vector<16xf32>,
        %add3A_190 = arith.constant 0 : i32
        %add3A_191 = vector.broadcast %add3A_190 : i32 to vector<16xi32>
        %add3A_192 = arith.addi %add3A_183, %add3A_191 : vector<16xi32>
        %gather3A_193 = tpu.vector_load_idx %arg9[%add3A_192] : memref<80000xf32, #tpu.memory_space<vmem>>[vector<16xi32>], vector<16xf32>,
        %add3A_194 = arith.constant 0 : i32
        %add3A_195 = vector.broadcast %add3A_194 : i32 to vector<16xi32>
        %add3A_196 = arith.addi %mul3A_186, %add3A_195 : vector<16xi32>
        %gather3A_197 = tpu.vector_load_idx %arg10[%add3A_196] : memref<160xf32, #tpu.memory_space<vmem>>[vector<16xi32>], vector<16xf32>,
        %add3A_198 = arith.addf %gather3A, %gather3A_193 : vector<16xf32>
        %add3A_199 = arith.addf %add3A_198, %gather3A_197 : vector<16xf32>
        %mul3A_200 = arith.constant 2.000000e-01 : f32
        %mul3A_201 = vector.broadcast %mul3A_200 : f32 to vector<16xf32>
        %mul3A_202 = arith.mulf %add3A_199, %mul3A_201 : vector<16xf32>
        %max3A = arith.maximumf %add3A_199, %mul3A_202 : vector<16xf32>
        %exp3A = math.exp %max3A : vector<16xf32>
        %mul3A_203 = arith.constant 4 : i32
        %mul3A_204 = vector.broadcast %mul3A_203 : i32 to vector<16xi32>
        %mul3A_205 = arith.muli %add3A_174, %mul3A_204 : vector<16xi32>
        %add3A_206 = arith.constant 0 : i32
        %add3A_207 = vector.broadcast %add3A_206 : i32 to vector<16xi32>
        %add3A_208 = arith.addi %mul3A_205, %add3A_207 : vector<16xi32>
        tpu.vector_store_idx %arg19[%add3A_208], %exp3A : memref<320xf32, #tpu.memory_space<vmem>>[vector<16xi32>], vector<16xf32>,
        %add3A_209 = arith.constant 0 : i32
        %add3A_210 = vector.broadcast %add3A_209 : i32 to vector<16xi32>
        %add3A_211 = arith.addi %get3A_170, %add3A_210 : vector<16xi32>
        tpu.vector_store_idx %arg11[%add3A_211], %exp3A {add = true} : memref<40000xf32, #tpu.memory_space<vmem>>[vector<16xi32>], vector<16xf32>,
        %add3A_212 = arith.constant 1 : i32
        %add3A_213 = vector.broadcast %add3A_212 : i32 to vector<16xi32>
        %add3A_214 = arith.addi %mul3A_177, %add3A_213 : vector<16xi32>
        %gather3A_215 = tpu.vector_load_idx %arg9[%add3A_214] : memref<80000xf32, #tpu.memory_space<vmem>>[vector<16xi32>], vector<16xf32>,
        %add3A_216 = arith.constant 1 : i32
        %add3A_217 = vector.broadcast %add3A_216 : i32 to vector<16xi32>
        %add3A_218 = arith.addi %add3A_183, %add3A_217 : vector<16xi32>
        %gather3A_219 = tpu.vector_load_idx %arg9[%add3A_218] : memref<80000xf32, #tpu.memory_space<vmem>>[vector<16xi32>], vector<16xf32>,
        %add3A_220 = arith.constant 1 : i32
        %add3A_221 = vector.broadcast %add3A_220 : i32 to vector<16xi32>
        %add3A_222 = arith.addi %mul3A_186, %add3A_221 : vector<16xi32>
        %gather3A_223 = tpu.vector_load_idx %arg10[%add3A_222] : memref<160xf32, #tpu.memory_space<vmem>>[vector<16xi32>], vector<16xf32>,
        %add3A_224 = arith.addf %gather3A_215, %gather3A_219 : vector<16xf32>
        %add3A_225 = arith.addf %add3A_224, %gather3A_223 : vector<16xf32>
        %mul3A_226 = arith.constant 2.000000e-01 : f32
        %mul3A_227 = vector.broadcast %mul3A_226 : f32 to vector<16xf32>
        %mul3A_228 = arith.mulf %add3A_225, %mul3A_227 : vector<16xf32>
        %max3A_229 = arith.maximumf %add3A_225, %mul3A_228 : vector<16xf32>
        %exp3A_230 = math.exp %max3A_229 : vector<16xf32>
        %mul3A_231 = arith.constant 4 : i32
        %mul3A_232 = vector.broadcast %mul3A_231 : i32 to vector<16xi32>
        %mul3A_233 = arith.muli %add3A_174, %mul3A_232 : vector<16xi32>
        %add3A_234 = arith.constant 1 : i32
        %add3A_235 = vector.broadcast %add3A_234 : i32 to vector<16xi32>
        %add3A_236 = arith.addi %mul3A_233, %add3A_235 : vector<16xi32>
        tpu.vector_store_idx %arg19[%add3A_236], %exp3A_230 : memref<320xf32, #tpu.memory_space<vmem>>[vector<16xi32>], vector<16xf32>,
        %add3A_237 = arith.constant 10000 : i32
        %add3A_238 = vector.broadcast %add3A_237 : i32 to vector<16xi32>
        %add3A_239 = arith.addi %get3A_170, %add3A_238 : vector<16xi32>
        tpu.vector_store_idx %arg11[%add3A_239], %exp3A_230 {add = true} : memref<40000xf32, #tpu.memory_space<vmem>>[vector<16xi32>], vector<16xf32>,
        %add3A_240 = arith.constant 2 : i32
        %add3A_241 = vector.broadcast %add3A_240 : i32 to vector<16xi32>
        %add3A_242 = arith.addi %mul3A_177, %add3A_241 : vector<16xi32>
        %gather3A_243 = tpu.vector_load_idx %arg9[%add3A_242] : memref<80000xf32, #tpu.memory_space<vmem>>[vector<16xi32>], vector<16xf32>,
        %add3A_244 = arith.constant 2 : i32
        %add3A_245 = vector.broadcast %add3A_244 : i32 to vector<16xi32>
        %add3A_246 = arith.addi %add3A_183, %add3A_245 : vector<16xi32>
        %gather3A_247 = tpu.vector_load_idx %arg9[%add3A_246] : memref<80000xf32, #tpu.memory_space<vmem>>[vector<16xi32>], vector<16xf32>,
        %add3A_248 = arith.constant 2 : i32
        %add3A_249 = vector.broadcast %add3A_248 : i32 to vector<16xi32>
        %add3A_250 = arith.addi %mul3A_186, %add3A_249 : vector<16xi32>
        %gather3A_251 = tpu.vector_load_idx %arg10[%add3A_250] : memref<160xf32, #tpu.memory_space<vmem>>[vector<16xi32>], vector<16xf32>,
        %add3A_252 = arith.addf %gather3A_243, %gather3A_247 : vector<16xf32>
        %add3A_253 = arith.addf %add3A_252, %gather3A_251 : vector<16xf32>
        %mul3A_254 = arith.constant 2.000000e-01 : f32
        %mul3A_255 = vector.broadcast %mul3A_254 : f32 to vector<16xf32>
        %mul3A_256 = arith.mulf %add3A_253, %mul3A_255 : vector<16xf32>
        %max3A_257 = arith.maximumf %add3A_253, %mul3A_256 : vector<16xf32>
        %exp3A_258 = math.exp %max3A_257 : vector<16xf32>
        %mul3A_259 = arith.constant 4 : i32
        %mul3A_260 = vector.broadcast %mul3A_259 : i32 to vector<16xi32>
        %mul3A_261 = arith.muli %add3A_174, %mul3A_260 : vector<16xi32>
        %add3A_262 = arith.constant 2 : i32
        %add3A_263 = vector.broadcast %add3A_262 : i32 to vector<16xi32>
        %add3A_264 = arith.addi %mul3A_261, %add3A_263 : vector<16xi32>
        tpu.vector_store_idx %arg19[%add3A_264], %exp3A_258 : memref<320xf32, #tpu.memory_space<vmem>>[vector<16xi32>], vector<16xf32>,
        %add3A_265 = arith.constant 20000 : i32
        %add3A_266 = vector.broadcast %add3A_265 : i32 to vector<16xi32>
        %add3A_267 = arith.addi %get3A_170, %add3A_266 : vector<16xi32>
        tpu.vector_store_idx %arg11[%add3A_267], %exp3A_258 {add = true} : memref<40000xf32, #tpu.memory_space<vmem>>[vector<16xi32>], vector<16xf32>,
        %add3A_268 = arith.constant 3 : i32
        %add3A_269 = vector.broadcast %add3A_268 : i32 to vector<16xi32>
        %add3A_270 = arith.addi %mul3A_177, %add3A_269 : vector<16xi32>
        %gather3A_271 = tpu.vector_load_idx %arg9[%add3A_270] : memref<80000xf32, #tpu.memory_space<vmem>>[vector<16xi32>], vector<16xf32>,
        %add3A_272 = arith.constant 3 : i32
        %add3A_273 = vector.broadcast %add3A_272 : i32 to vector<16xi32>
        %add3A_274 = arith.addi %add3A_183, %add3A_273 : vector<16xi32>
        %gather3A_275 = tpu.vector_load_idx %arg9[%add3A_274] : memref<80000xf32, #tpu.memory_space<vmem>>[vector<16xi32>], vector<16xf32>,
        %add3A_276 = arith.constant 3 : i32
        %add3A_277 = vector.broadcast %add3A_276 : i32 to vector<16xi32>
        %add3A_278 = arith.addi %mul3A_186, %add3A_277 : vector<16xi32>
        %gather3A_279 = tpu.vector_load_idx %arg10[%add3A_278] : memref<160xf32, #tpu.memory_space<vmem>>[vector<16xi32>], vector<16xf32>,
        %add3A_280 = arith.addf %gather3A_271, %gather3A_275 : vector<16xf32>
        %add3A_281 = arith.addf %add3A_280, %gather3A_279 : vector<16xf32>
        %mul3A_282 = arith.constant 2.000000e-01 : f32
        %mul3A_283 = vector.broadcast %mul3A_282 : f32 to vector<16xf32>
        %mul3A_284 = arith.mulf %add3A_281, %mul3A_283 : vector<16xf32>
        %max3A_285 = arith.maximumf %add3A_281, %mul3A_284 : vector<16xf32>
        %exp3A_286 = math.exp %max3A_285 : vector<16xf32>
        %mul3A_287 = arith.constant 4 : i32
        %mul3A_288 = vector.broadcast %mul3A_287 : i32 to vector<16xi32>
        %mul3A_289 = arith.muli %add3A_174, %mul3A_288 : vector<16xi32>
        %add3A_290 = arith.constant 3 : i32
        %add3A_291 = vector.broadcast %add3A_290 : i32 to vector<16xi32>
        %add3A_292 = arith.addi %mul3A_289, %add3A_291 : vector<16xi32>
        tpu.vector_store_idx %arg19[%add3A_292], %exp3A_286 : memref<320xf32, #tpu.memory_space<vmem>>[vector<16xi32>], vector<16xf32>,
        %add3A_293 = arith.constant 30000 : i32
        %add3A_294 = vector.broadcast %add3A_293 : i32 to vector<16xi32>
        %add3A_295 = arith.addi %get3A_170, %add3A_294 : vector<16xi32>
        tpu.vector_store_idx %arg11[%add3A_295], %exp3A_286 {add = true} : memref<40000xf32, #tpu.memory_space<vmem>>[vector<16xi32>], vector<16xf32>,
      }
      %scan3A_147 = arith.constant 5 : i32
      %mul3A_148 = arith.constant 10000 : i32
      %mul3A_149 = arith.muli %add3A, %mul3A_148 : i32
      %mul3A_150 = arith.constant 80 : i32
      %mul3A_151 = arith.muli %add3A_137, %mul3A_150 : i32
      %add3A_152 = arith.addi %mul3A_149, %mul3A_151 : i32
      %mul3A_153 = arith.constant 4 : i32
      %mul3A_154 = arith.muli %add3A_152, %mul3A_153 : i32
      %dma_start3A_155 = tpu.memref_slice %arg7[%mul3A_154] : memref<1280000xf32, #tpu.memory_space<hbm>> -> memref<320xf32, #tpu.memory_space<hbm>>
      %dma_start3A_156 = tpu.memref_slice %arg7[%mul3A_154] : memref<1280000xf32, #tpu.memory_space<hbm>> -> memref<320xf32, #tpu.memory_space<hbm>>
      tpu.enqueue_dma source(%arg19 : memref<320xf32, #tpu.memory_space<vmem>>) target(%dma_start3A_156 : memref<320xf32, #tpu.memory_space<hbm>>) target_semaphore(%arg23 : memref<!tpu.dma_semaphore, #tpu.memory_space<semaphore_mem>>)
      %add3A_157 = arith.constant 3 : i32
      %add3A_158 = arith.addi %mul3A_82, %add3A_157 : i32
      %lt3A = arith.constant 125 : i32
      %lt3A_159 = arith.cmpi slt, %add3A_158, %lt3A : i32
      %convert_element_type3A_160 = arith.extui %lt3A_159 : i1 to i32
      %cond3A_161 = arith.constant 0 : i32
      %cond3A_162 = arith.cmpi ne, %convert_element_type3A_160, %cond3A_161 : i32
      scf.if %cond3A_162 {
        %add3A_163 = arith.constant 3 : i32
        %add3A_164 = arith.addi %mul3A_82, %add3A_163 : i32
        %mul3A_165 = arith.constant 10000 : i32
        %mul3A_166 = arith.muli %add3A, %mul3A_165 : i32
        %mul3A_167 = arith.constant 80 : i32
        %mul3A_168 = arith.muli %add3A_164, %mul3A_167 : i32
        %add3A_169 = arith.addi %mul3A_166, %mul3A_168 : i32
        %dma_start3A_170 = tpu.memref_slice %arg2[%add3A_169] : memref<320000xi32, #tpu.memory_space<hbm>> -> memref<80xi32, #tpu.memory_space<hbm>>
        %dma_start3A_171 = tpu.memref_slice %arg2[%add3A_169] : memref<320000xi32, #tpu.memory_space<hbm>> -> memref<80xi32, #tpu.memory_space<hbm>>
        tpu.enqueue_dma source(%dma_start3A_171 : memref<80xi32, #tpu.memory_space<hbm>>) target(%arg16 : memref<80xi32, #tpu.memory_space<vmem>>) target_semaphore(%arg21 : memref<!tpu.dma_semaphore, #tpu.memory_space<semaphore_mem>>)
        %dma_start3A_172 = tpu.memref_slice %arg3[%add3A_169] : memref<320000xi32, #tpu.memory_space<hbm>> -> memref<80xi32, #tpu.memory_space<hbm>>
        %dma_start3A_173 = tpu.memref_slice %arg3[%add3A_169] : memref<320000xi32, #tpu.memory_space<hbm>> -> memref<80xi32, #tpu.memory_space<hbm>>
        tpu.enqueue_dma source(%dma_start3A_173 : memref<80xi32, #tpu.memory_space<hbm>>) target(%arg17 : memref<80xi32, #tpu.memory_space<vmem>>) target_semaphore(%arg21 : memref<!tpu.dma_semaphore, #tpu.memory_space<semaphore_mem>>)
        %dma_start3A_174 = tpu.memref_slice %arg4[%add3A_169] : memref<320000xi32, #tpu.memory_space<hbm>> -> memref<80xi32, #tpu.memory_space<hbm>>
        %dma_start3A_175 = tpu.memref_slice %arg4[%add3A_169] : memref<320000xi32, #tpu.memory_space<hbm>> -> memref<80xi32, #tpu.memory_space<hbm>>
        tpu.enqueue_dma source(%dma_start3A_175 : memref<80xi32, #tpu.memory_space<hbm>>) target(%arg18 : memref<80xi32, #tpu.memory_space<vmem>>) target_semaphore(%arg21 : memref<!tpu.dma_semaphore, #tpu.memory_space<semaphore_mem>>)
      } else {
      }
    }
    %scan3A_29 = arith.constant 62 : i32
    %mul3A_30 = arith.constant 10000 : i32
    %mul3A_31 = arith.muli %add3A, %mul3A_30 : i32
    %add3A_32 = arith.constant 9920 : i32
    %add3A_33 = arith.addi %mul3A_31, %add3A_32 : i32
    %dma_wait3A = tpu.memref_slice %arg2[%add3A_33] : memref<320000xi32, #tpu.memory_space<hbm>> -> memref<80xi32, #tpu.memory_space<hbm>>
    %dma_wait3A_34 = tpu.memref_slice %arg2[%add3A_33] : memref<320000xi32, #tpu.memory_space<hbm>> -> memref<80xi32, #tpu.memory_space<hbm>>
    tpu.wait_dma2 semaphore(%arg20 : memref<!tpu.dma_semaphore, #tpu.memory_space<semaphore_mem>>) src(%dma_wait3A_34 : memref<80xi32, #tpu.memory_space<hbm>>) dst(%arg12 : memref<80xi32, #tpu.memory_space<vmem>>)
    %dma_wait3A_35 = tpu.memref_slice %arg3[%add3A_33] : memref<320000xi32, #tpu.memory_space<hbm>> -> memref<80xi32, #tpu.memory_space<hbm>>
    %dma_wait3A_36 = tpu.memref_slice %arg3[%add3A_33] : memref<320000xi32, #tpu.memory_space<hbm>> -> memref<80xi32, #tpu.memory_space<hbm>>
    tpu.wait_dma2 semaphore(%arg20 : memref<!tpu.dma_semaphore, #tpu.memory_space<semaphore_mem>>) src(%dma_wait3A_36 : memref<80xi32, #tpu.memory_space<hbm>>) dst(%arg13 : memref<80xi32, #tpu.memory_space<vmem>>)
    %dma_wait3A_37 = tpu.memref_slice %arg4[%add3A_33] : memref<320000xi32, #tpu.memory_space<hbm>> -> memref<80xi32, #tpu.memory_space<hbm>>
    %dma_wait3A_38 = tpu.memref_slice %arg4[%add3A_33] : memref<320000xi32, #tpu.memory_space<hbm>> -> memref<80xi32, #tpu.memory_space<hbm>>
    tpu.wait_dma2 semaphore(%arg20 : memref<!tpu.dma_semaphore, #tpu.memory_space<semaphore_mem>>) src(%dma_wait3A_38 : memref<80xi32, #tpu.memory_space<hbm>>) dst(%arg14 : memref<80xi32, #tpu.memory_space<vmem>>)
    %mul3A_39 = arith.constant 10000 : i32
    %mul3A_40 = arith.muli %add3A, %mul3A_39 : i32
    %add3A_41 = arith.constant 9760 : i32
    %add3A_42 = arith.addi %mul3A_40, %add3A_41 : i32
    %mul3A_43 = arith.constant 4 : i32
    %mul3A_44 = arith.muli %add3A_42, %mul3A_43 : i32
    %dma_wait3A_45 = tpu.memref_slice %arg7[%mul3A_44] : memref<1280000xf32, #tpu.memory_space<hbm>> -> memref<320xf32, #tpu.memory_space<hbm>>
    %dma_wait3A_46 = tpu.memref_slice %arg7[%mul3A_44] : memref<1280000xf32, #tpu.memory_space<hbm>> -> memref<320xf32, #tpu.memory_space<hbm>>
    tpu.wait_dma2 semaphore(%arg22 : memref<!tpu.dma_semaphore, #tpu.memory_space<semaphore_mem>>) src(%arg15 : memref<320xf32, #tpu.memory_space<vmem>>) dst(%dma_wait3A_46 : memref<320xf32, #tpu.memory_space<hbm>>)
    %scan3A_47 = arith.constant 0 : i32
    %scan3A_48 = arith.constant 5 : i32
    %scan3A_49 = arith.addi %scan3A_47, %scan3A_48 : i32
    %scan3A_50 = arith.constant 1 : i32
    scf.for %scan3A_76 = %scan3A_47 to %scan3A_49 step %scan3A_50  : i32 {
      %mul3A_77 = arith.constant 16 : i32
      %mul3A_78 = arith.muli %scan3A_76, %mul3A_77 : i32
      %add3A_79 = arith.constant 0 : i32
      %add3A_80 = arith.addi %add3A_79, %mul3A_78 : i32
      %get3A = arith.index_cast %add3A_80 : i32 to index
      %get3A_81 = tpu.vector_load %arg12[%get3A] {strides = array<i32>} : memref<80xi32, #tpu.memory_space<vmem>>, vector<16xi32>,
      %get3A_82 = arith.index_cast %add3A_80 : i32 to index
      %get3A_83 = tpu.vector_load %arg13[%get3A_82] {strides = array<i32>} : memref<80xi32, #tpu.memory_space<vmem>>, vector<16xi32>,
      %get3A_84 = arith.index_cast %add3A_80 : i32 to index
      %get3A_85 = tpu.vector_load %arg14[%get3A_84] {strides = array<i32>} : memref<80xi32, #tpu.memory_space<vmem>>, vector<16xi32>,
      %add3A_86 = vector.broadcast %add3A_80 : i32 to vector<16xi32>
      %add3A_87 = arith.addi %add3A_86, %iota3A : vector<16xi32>
      %mul3A_88 = arith.constant 8 : i32
      %mul3A_89 = vector.broadcast %mul3A_88 : i32 to vector<16xi32>
      %mul3A_90 = arith.muli %get3A_81, %mul3A_89 : vector<16xi32>
      %mul3A_91 = arith.constant 8 : i32
      %mul3A_92 = vector.broadcast %mul3A_91 : i32 to vector<16xi32>
      %mul3A_93 = arith.muli %get3A_83, %mul3A_92 : vector<16xi32>
      %add3A_94 = arith.constant 4 : i32
      %add3A_95 = vector.broadcast %add3A_94 : i32 to vector<16xi32>
      %add3A_96 = arith.addi %mul3A_93, %add3A_95 : vector<16xi32>
      %mul3A_97 = arith.constant 4 : i32
      %mul3A_98 = vector.broadcast %mul3A_97 : i32 to vector<16xi32>
      %mul3A_99 = arith.muli %get3A_85, %mul3A_98 : vector<16xi32>
      %add3A_100 = arith.constant 0 : i32
      %add3A_101 = vector.broadcast %add3A_100 : i32 to vector<16xi32>
      %add3A_102 = arith.addi %mul3A_90, %add3A_101 : vector<16xi32>
      %gather3A = tpu.vector_load_idx %arg9[%add3A_102] : memref<80000xf32, #tpu.memory_space<vmem>>[vector<16xi32>], vector<16xf32>,
      %add3A_103 = arith.constant 0 : i32
      %add3A_104 = vector.broadcast %add3A_103 : i32 to vector<16xi32>
      %add3A_105 = arith.addi %add3A_96, %add3A_104 : vector<16xi32>
      %gather3A_106 = tpu.vector_load_idx %arg9[%add3A_105] : memref<80000xf32, #tpu.memory_space<vmem>>[vector<16xi32>], vector<16xf32>,
      %add3A_107 = arith.constant 0 : i32
      %add3A_108 = vector.broadcast %add3A_107 : i32 to vector<16xi32>
      %add3A_109 = arith.addi %mul3A_99, %add3A_108 : vector<16xi32>
      %gather3A_110 = tpu.vector_load_idx %arg10[%add3A_109] : memref<160xf32, #tpu.memory_space<vmem>>[vector<16xi32>], vector<16xf32>,
      %add3A_111 = arith.addf %gather3A, %gather3A_106 : vector<16xf32>
      %add3A_112 = arith.addf %add3A_111, %gather3A_110 : vector<16xf32>
      %mul3A_113 = arith.constant 2.000000e-01 : f32
      %mul3A_114 = vector.broadcast %mul3A_113 : f32 to vector<16xf32>
      %mul3A_115 = arith.mulf %add3A_112, %mul3A_114 : vector<16xf32>
      %max3A = arith.maximumf %add3A_112, %mul3A_115 : vector<16xf32>
      %exp3A = math.exp %max3A : vector<16xf32>
      %mul3A_116 = arith.constant 4 : i32
      %mul3A_117 = vector.broadcast %mul3A_116 : i32 to vector<16xi32>
      %mul3A_118 = arith.muli %add3A_87, %mul3A_117 : vector<16xi32>
      %add3A_119 = arith.constant 0 : i32
      %add3A_120 = vector.broadcast %add3A_119 : i32 to vector<16xi32>
      %add3A_121 = arith.addi %mul3A_118, %add3A_120 : vector<16xi32>
      tpu.vector_store_idx %arg15[%add3A_121], %exp3A : memref<320xf32, #tpu.memory_space<vmem>>[vector<16xi32>], vector<16xf32>,
      %add3A_122 = arith.constant 0 : i32
      %add3A_123 = vector.broadcast %add3A_122 : i32 to vector<16xi32>
      %add3A_124 = arith.addi %get3A_83, %add3A_123 : vector<16xi32>
      tpu.vector_store_idx %arg11[%add3A_124], %exp3A {add = true} : memref<40000xf32, #tpu.memory_space<vmem>>[vector<16xi32>], vector<16xf32>,
      %add3A_125 = arith.constant 1 : i32
      %add3A_126 = vector.broadcast %add3A_125 : i32 to vector<16xi32>
      %add3A_127 = arith.addi %mul3A_90, %add3A_126 : vector<16xi32>
      %gather3A_128 = tpu.vector_load_idx %arg9[%add3A_127] : memref<80000xf32, #tpu.memory_space<vmem>>[vector<16xi32>], vector<16xf32>,
      %add3A_129 = arith.constant 1 : i32
      %add3A_130 = vector.broadcast %add3A_129 : i32 to vector<16xi32>
      %add3A_131 = arith.addi %add3A_96, %add3A_130 : vector<16xi32>
      %gather3A_132 = tpu.vector_load_idx %arg9[%add3A_131] : memref<80000xf32, #tpu.memory_space<vmem>>[vector<16xi32>], vector<16xf32>,
      %add3A_133 = arith.constant 1 : i32
      %add3A_134 = vector.broadcast %add3A_133 : i32 to vector<16xi32>
      %add3A_135 = arith.addi %mul3A_99, %add3A_134 : vector<16xi32>
      %gather3A_136 = tpu.vector_load_idx %arg10[%add3A_135] : memref<160xf32, #tpu.memory_space<vmem>>[vector<16xi32>], vector<16xf32>,
      %add3A_137 = arith.addf %gather3A_128, %gather3A_132 : vector<16xf32>
      %add3A_138 = arith.addf %add3A_137, %gather3A_136 : vector<16xf32>
      %mul3A_139 = arith.constant 2.000000e-01 : f32
      %mul3A_140 = vector.broadcast %mul3A_139 : f32 to vector<16xf32>
      %mul3A_141 = arith.mulf %add3A_138, %mul3A_140 : vector<16xf32>
      %max3A_142 = arith.maximumf %add3A_138, %mul3A_141 : vector<16xf32>
      %exp3A_143 = math.exp %max3A_142 : vector<16xf32>
      %mul3A_144 = arith.constant 4 : i32
      %mul3A_145 = vector.broadcast %mul3A_144 : i32 to vector<16xi32>
      %mul3A_146 = arith.muli %add3A_87, %mul3A_145 : vector<16xi32>
      %add3A_147 = arith.constant 1 : i32
      %add3A_148 = vector.broadcast %add3A_147 : i32 to vector<16xi32>
      %add3A_149 = arith.addi %mul3A_146, %add3A_148 : vector<16xi32>
      tpu.vector_store_idx %arg15[%add3A_149], %exp3A_143 : memref<320xf32, #tpu.memory_space<vmem>>[vector<16xi32>], vector<16xf32>,
      %add3A_150 = arith.constant 10000 : i32
      %add3A_151 = vector.broadcast %add3A_150 : i32 to vector<16xi32>
      %add3A_152 = arith.addi %get3A_83, %add3A_151 : vector<16xi32>
      tpu.vector_store_idx %arg11[%add3A_152], %exp3A_143 {add = true} : memref<40000xf32, #tpu.memory_space<vmem>>[vector<16xi32>], vector<16xf32>,
      %add3A_153 = arith.constant 2 : i32
      %add3A_154 = vector.broadcast %add3A_153 : i32 to vector<16xi32>
      %add3A_155 = arith.addi %mul3A_90, %add3A_154 : vector<16xi32>
      %gather3A_156 = tpu.vector_load_idx %arg9[%add3A_155] : memref<80000xf32, #tpu.memory_space<vmem>>[vector<16xi32>], vector<16xf32>,
      %add3A_157 = arith.constant 2 : i32
      %add3A_158 = vector.broadcast %add3A_157 : i32 to vector<16xi32>
      %add3A_159 = arith.addi %add3A_96, %add3A_158 : vector<16xi32>
      %gather3A_160 = tpu.vector_load_idx %arg9[%add3A_159] : memref<80000xf32, #tpu.memory_space<vmem>>[vector<16xi32>], vector<16xf32>,
      %add3A_161 = arith.constant 2 : i32
      %add3A_162 = vector.broadcast %add3A_161 : i32 to vector<16xi32>
      %add3A_163 = arith.addi %mul3A_99, %add3A_162 : vector<16xi32>
      %gather3A_164 = tpu.vector_load_idx %arg10[%add3A_163] : memref<160xf32, #tpu.memory_space<vmem>>[vector<16xi32>], vector<16xf32>,
      %add3A_165 = arith.addf %gather3A_156, %gather3A_160 : vector<16xf32>
      %add3A_166 = arith.addf %add3A_165, %gather3A_164 : vector<16xf32>
      %mul3A_167 = arith.constant 2.000000e-01 : f32
      %mul3A_168 = vector.broadcast %mul3A_167 : f32 to vector<16xf32>
      %mul3A_169 = arith.mulf %add3A_166, %mul3A_168 : vector<16xf32>
      %max3A_170 = arith.maximumf %add3A_166, %mul3A_169 : vector<16xf32>
      %exp3A_171 = math.exp %max3A_170 : vector<16xf32>
      %mul3A_172 = arith.constant 4 : i32
      %mul3A_173 = vector.broadcast %mul3A_172 : i32 to vector<16xi32>
      %mul3A_174 = arith.muli %add3A_87, %mul3A_173 : vector<16xi32>
      %add3A_175 = arith.constant 2 : i32
      %add3A_176 = vector.broadcast %add3A_175 : i32 to vector<16xi32>
      %add3A_177 = arith.addi %mul3A_174, %add3A_176 : vector<16xi32>
      tpu.vector_store_idx %arg15[%add3A_177], %exp3A_171 : memref<320xf32, #tpu.memory_space<vmem>>[vector<16xi32>], vector<16xf32>,
      %add3A_178 = arith.constant 20000 : i32
      %add3A_179 = vector.broadcast %add3A_178 : i32 to vector<16xi32>
      %add3A_180 = arith.addi %get3A_83, %add3A_179 : vector<16xi32>
      tpu.vector_store_idx %arg11[%add3A_180], %exp3A_171 {add = true} : memref<40000xf32, #tpu.memory_space<vmem>>[vector<16xi32>], vector<16xf32>,
      %add3A_181 = arith.constant 3 : i32
      %add3A_182 = vector.broadcast %add3A_181 : i32 to vector<16xi32>
      %add3A_183 = arith.addi %mul3A_90, %add3A_182 : vector<16xi32>
      %gather3A_184 = tpu.vector_load_idx %arg9[%add3A_183] : memref<80000xf32, #tpu.memory_space<vmem>>[vector<16xi32>], vector<16xf32>,
      %add3A_185 = arith.constant 3 : i32
      %add3A_186 = vector.broadcast %add3A_185 : i32 to vector<16xi32>
      %add3A_187 = arith.addi %add3A_96, %add3A_186 : vector<16xi32>
      %gather3A_188 = tpu.vector_load_idx %arg9[%add3A_187] : memref<80000xf32, #tpu.memory_space<vmem>>[vector<16xi32>], vector<16xf32>,
      %add3A_189 = arith.constant 3 : i32
      %add3A_190 = vector.broadcast %add3A_189 : i32 to vector<16xi32>
      %add3A_191 = arith.addi %mul3A_99, %add3A_190 : vector<16xi32>
      %gather3A_192 = tpu.vector_load_idx %arg10[%add3A_191] : memref<160xf32, #tpu.memory_space<vmem>>[vector<16xi32>], vector<16xf32>,
      %add3A_193 = arith.addf %gather3A_184, %gather3A_188 : vector<16xf32>
      %add3A_194 = arith.addf %add3A_193, %gather3A_192 : vector<16xf32>
      %mul3A_195 = arith.constant 2.000000e-01 : f32
      %mul3A_196 = vector.broadcast %mul3A_195 : f32 to vector<16xf32>
      %mul3A_197 = arith.mulf %add3A_194, %mul3A_196 : vector<16xf32>
      %max3A_198 = arith.maximumf %add3A_194, %mul3A_197 : vector<16xf32>
      %exp3A_199 = math.exp %max3A_198 : vector<16xf32>
      %mul3A_200 = arith.constant 4 : i32
      %mul3A_201 = vector.broadcast %mul3A_200 : i32 to vector<16xi32>
      %mul3A_202 = arith.muli %add3A_87, %mul3A_201 : vector<16xi32>
      %add3A_203 = arith.constant 3 : i32
      %add3A_204 = vector.broadcast %add3A_203 : i32 to vector<16xi32>
      %add3A_205 = arith.addi %mul3A_202, %add3A_204 : vector<16xi32>
      tpu.vector_store_idx %arg15[%add3A_205], %exp3A_199 : memref<320xf32, #tpu.memory_space<vmem>>[vector<16xi32>], vector<16xf32>,
      %add3A_206 = arith.constant 30000 : i32
      %add3A_207 = vector.broadcast %add3A_206 : i32 to vector<16xi32>
      %add3A_208 = arith.addi %get3A_83, %add3A_207 : vector<16xi32>
      tpu.vector_store_idx %arg11[%add3A_208], %exp3A_199 {add = true} : memref<40000xf32, #tpu.memory_space<vmem>>[vector<16xi32>], vector<16xf32>,
    }
    %scan3A_51 = arith.constant 5 : i32
    %mul3A_52 = arith.constant 10000 : i32
    %mul3A_53 = arith.muli %add3A, %mul3A_52 : i32
    %add3A_54 = arith.constant 9920 : i32
    %add3A_55 = arith.addi %mul3A_53, %add3A_54 : i32
    %mul3A_56 = arith.constant 4 : i32
    %mul3A_57 = arith.muli %add3A_55, %mul3A_56 : i32
    %dma_start3A_58 = tpu.memref_slice %arg7[%mul3A_57] : memref<1280000xf32, #tpu.memory_space<hbm>> -> memref<320xf32, #tpu.memory_space<hbm>>
    %dma_start3A_59 = tpu.memref_slice %arg7[%mul3A_57] : memref<1280000xf32, #tpu.memory_space<hbm>> -> memref<320xf32, #tpu.memory_space<hbm>>
    tpu.enqueue_dma source(%arg15 : memref<320xf32, #tpu.memory_space<vmem>>) target(%dma_start3A_59 : memref<320xf32, #tpu.memory_space<hbm>>) target_semaphore(%arg22 : memref<!tpu.dma_semaphore, #tpu.memory_space<semaphore_mem>>)
    %mul3A_60 = arith.constant 10000 : i32
    %mul3A_61 = arith.muli %add3A, %mul3A_60 : i32
    %add3A_62 = arith.constant 9840 : i32
    %add3A_63 = arith.addi %mul3A_61, %add3A_62 : i32
    %mul3A_64 = arith.constant 4 : i32
    %mul3A_65 = arith.muli %add3A_63, %mul3A_64 : i32
    %dma_wait3A_66 = tpu.memref_slice %arg7[%mul3A_65] : memref<1280000xf32, #tpu.memory_space<hbm>> -> memref<320xf32, #tpu.memory_space<hbm>>
    %dma_wait3A_67 = tpu.memref_slice %arg7[%mul3A_65] : memref<1280000xf32, #tpu.memory_space<hbm>> -> memref<320xf32, #tpu.memory_space<hbm>>
    tpu.wait_dma2 semaphore(%arg23 : memref<!tpu.dma_semaphore, #tpu.memory_space<semaphore_mem>>) src(%arg19 : memref<320xf32, #tpu.memory_space<vmem>>) dst(%dma_wait3A_67 : memref<320xf32, #tpu.memory_space<hbm>>)
    %mul3A_68 = arith.constant 10000 : i32
    %mul3A_69 = arith.muli %add3A, %mul3A_68 : i32
    %add3A_70 = arith.constant 9920 : i32
    %add3A_71 = arith.addi %mul3A_69, %add3A_70 : i32
    %mul3A_72 = arith.constant 4 : i32
    %mul3A_73 = arith.muli %add3A_71, %mul3A_72 : i32
    %dma_wait3A_74 = tpu.memref_slice %arg7[%mul3A_73] : memref<1280000xf32, #tpu.memory_space<hbm>> -> memref<320xf32, #tpu.memory_space<hbm>>
    %dma_wait3A_75 = tpu.memref_slice %arg7[%mul3A_73] : memref<1280000xf32, #tpu.memory_space<hbm>> -> memref<320xf32, #tpu.memory_space<hbm>>
    tpu.wait_dma2 semaphore(%arg22 : memref<!tpu.dma_semaphore, #tpu.memory_space<semaphore_mem>>) src(%arg15 : memref<320xf32, #tpu.memory_space<vmem>>) dst(%dma_wait3A_75 : memref<320xf32, #tpu.memory_space<hbm>>)
    "tpu.region"() ({
      %run_scoped3A = tpu.sem_alloc : memref<!tpu.dma_semaphore, #tpu.memory_space<semaphore_mem>>
      %dma_start3A_76 = arith.constant 0 : i32
      %dma_start3A_77 = tpu.memref_slice %arg8[%add3A, %dma_start3A_76] : memref<32x40000xf32, #tpu.memory_space<hbm>> -> memref<1x40000xf32, #tpu.memory_space<hbm>>
      %dma_start3A_78 = tpu.memref_squeeze %dma_start3A_77 : memref<1x40000xf32, #tpu.memory_space<hbm>> -> memref<40000xf32, #tpu.memory_space<hbm>>
      %dma_start3A_79 = arith.constant 0 : i32
      %dma_start3A_80 = tpu.memref_slice %arg8[%add3A, %dma_start3A_79] : memref<32x40000xf32, #tpu.memory_space<hbm>> -> memref<1x40000xf32, #tpu.memory_space<hbm>>
      %dma_start3A_81 = tpu.memref_squeeze %dma_start3A_80 : memref<1x40000xf32, #tpu.memory_space<hbm>> -> memref<40000xf32, #tpu.memory_space<hbm>>
      tpu.enqueue_dma source(%arg11 : memref<40000xf32, #tpu.memory_space<vmem>>) target(%dma_start3A_81 : memref<40000xf32, #tpu.memory_space<hbm>>) target_semaphore(%run_scoped3A : memref<!tpu.dma_semaphore, #tpu.memory_space<semaphore_mem>>)
      %dma_wait3A_82 = arith.constant 0 : i32
      %dma_wait3A_83 = tpu.memref_slice %arg8[%add3A, %dma_wait3A_82] : memref<32x40000xf32, #tpu.memory_space<hbm>> -> memref<1x40000xf32, #tpu.memory_space<hbm>>
      %dma_wait3A_84 = tpu.memref_squeeze %dma_wait3A_83 : memref<1x40000xf32, #tpu.memory_space<hbm>> -> memref<40000xf32, #tpu.memory_space<hbm>>
      %dma_wait3A_85 = arith.constant 0 : i32
      %dma_wait3A_86 = tpu.memref_slice %arg8[%add3A, %dma_wait3A_85] : memref<32x40000xf32, #tpu.memory_space<hbm>> -> memref<1x40000xf32, #tpu.memory_space<hbm>>
      %dma_wait3A_87 = tpu.memref_squeeze %dma_wait3A_86 : memref<1x40000xf32, #tpu.memory_space<hbm>> -> memref<40000xf32, #tpu.memory_space<hbm>>
      tpu.wait_dma2 semaphore(%run_scoped3A : memref<!tpu.dma_semaphore, #tpu.memory_space<semaphore_mem>>) src(%arg11 : memref<40000xf32, #tpu.memory_space<vmem>>) dst(%dma_wait3A_87 : memref<40000xf32, #tpu.memory_space<hbm>>)
      tpu.yield
    }) : () -> ()
    return
  }
}

</mosaic_0001>

<sc_bundles>
// kernel: _k2.3.cloned.1.call-start
scs
__scs_entry_jumppad:
0x0: {  	(pc) =	sbr.rel $0x88, $3  }
0x1: {  	(tag) =	ssettag $0x0;
	lr =	simm.s32 $0x1  }
0x2: {  	[smem:$0x3F9C] =	sst lr;
	_ =	strace $0xD0000000  }
0x3: {  	_ = 	snop  }
0x4: {  	_ = 	snop  }
0x5: {  	_ = 	snop  }
0x6: {  	_ = 	snop  }
0x7: {  	_ = 	snop  }
__scs_overlays_trampoline_lowered:
0x8: {  	[smem:$0x3FAB] =	sst s0  }
0x9: {  	[smem:$0x3FAC] =	sst s1  }
0xa: {  	[smem:$0x3FAD] =	sst s2  }
0xb: {  	[smem:$0x3FAE] =	sst s3  }
0xc: {  	[smem:$0x3FAF] =	sst s4  }
0xd: {  	[smem:$0x3FB0] =	sst s5  }
0xe: {  	[smem:$0x3FB1] =	sst s6  }
0xf: {  	[smem:$0x3FB2] =	sst s7  }
0x10: {  	[smem:$0x3FB3] =	sst s8  }
0x11: {  	[smem:$0x3FB4] =	sst s9;
	s0 =	simm.s32 @!p0 $0x0  }
0x12: {  	s1 =	sld [smem:$0x3F9A];
	s0 =	simm.s32 @p0 $0x1  }
0x13: {  	[smem:$0x3FB5] =	sst s0;
	s0 =	simm.s32 @!p1 $0x0  }
0x14: {  	s2 =	sld [smem:$0x3F99];
	s0 =	simm.s32 @p1 $0x1  }
0x15: {  	[smem:$0x3FB6] =	sst s0;
	s0 =	simm.s32 @!p2 $0x0  }
0x16: {  	s3 =	sld [smem:$0x3FDB];
	s0 =	simm.s32 @p2 $0x1  }
0x17: {  	s4 =	simm.s32 $0x1BF5;
	[smem:$0x3FB8] =	sst s0  }
0x18: {  	s0 =	sld [smem:$0x3F9B];
	_ =	swait.ge [sflag:s4], $0x0  }
0x19: {  	s7 =	sld [smem:$0x3F9C]  }
0x1a: {  	s8 =	sadd.s32 $0xFFFFE003, lr  }
0x1b: {  	s9 =	sadd.s32 $0xFFFFFEF7, lr;
	s5 =	simm.s32 $0xFFFFFFFF;
	p2 =	slt.u32 s8, $0xFFFFF086  }
0x1c: {  	p1 =	slt.u32 s9, $0xF7A;
	s5 =	simm.s32 @!p2 $0x0  }
0x1d: {  	s5 =	simm.s32 @p1 $0x1;
	p0 =	seq.s32 s7, s2  }
0x1e: {  	s7 =	smul.u32 @!p0 $0xF7A, s2;
	p2 =	seq.s32 @!p0 s5, $0x0  }
0x1f: {  	s9 =	smul.u32 $0xF7A, s1;
	s8 =	simm.s32 @!p0 $0x1BF5;
	p2 =	por !p2, p0  }
0x20: {  	[sflag:s8] =	ssyncset.s32 @!p0 $0xFFFFF086;
	s6 =	sadd.s32 @!p0 s3, s7;
	s7 =	simm.s32 @!p0 $0x108  }
0x21: {  	s3 =	sadd.s32 s3, s9;
	s6 =	sadd.s32 @!p0 $0x88, s6;
	s7 =	simm.s32 @p2 $0x1082  }
0x22: {  	[simem:s7], [sflag:s8] =	dma.local @!p0 [hbm:s6], $0xF7A  }
0x23: {  	s9 =	sor.u32 $0xD0000000, s2;
	s6 =	simm.s32 $0x108;
	_ =	swait.ge @!p0 [sflag:s8], $0x0  }
0x24: {  	s3 =	sadd.s32 $0x88, s3;
	s6 =	simm.s32 @!p1 $0x1082;
	[sflag:s4] =	ssyncset.s32 $0xFFFFF086  }
0x25: {  	[simem:s6], [sflag:s4] =	dma.local [hbm:s3], $0xF7A  }
0x26: {  	[smem:$0x3F9C] =	sst s1;
	(tag) =	ssettag s2;
	_ =	strace s9  }
0x27: {  	s1 =	sld [smem:$0x3FAC]  }
0x28: {  	s2 =	sld [smem:$0x3FAD]  }
0x29: {  	s4 =	sld [smem:$0x3FAF]  }
0x2a: {  	p0 =	seq.s32 s5, $0x0;
	s5 =	sld [smem:$0x3FB0]  }
0x2b: {  	s6 =	sld [smem:$0x3FB1]  }
0x2c: {  	s7 =	sld [smem:$0x3FB2]  }
0x2d: {  	s3 =	simm.s32 $0x108;
	s8 =	sld [smem:$0x3FB3]  }
0x2e: {  	s3 =	simm.s32 @!p0 $0x1082;
	s9 =	sld [smem:$0x3FB4]  }
0x2f: {  	lr =	sadd.s32 s0, s3;
	s0 =	sld [smem:$0x3FAB]  }
0x30: {  	s3 =	sld [smem:$0x3FAE]  }
0x31: {  	[smem:$0x3FB7] =	sst s10  }
0x32: {  	s10 =	sld [smem:$0x3FB5];
	_ =	sdelay $0x3  }
0x33: {  	p0 =	seq.s32 s10, $0x1;
	s10 =	sld [smem:$0x3FB7];
	_ =	sdelay $0x3  }
0x34: {  	[smem:$0x3FB7] =	sst s10  }
0x35: {  	s10 =	sld [smem:$0x3FB6];
	_ =	sdelay $0x3  }
0x36: {  	p1 =	seq.s32 s10, $0x1;
	s10 =	sld [smem:$0x3FB7];
	_ =	sdelay $0x3  }
0x37: {  	[smem:$0x3FB7] =	sst s10  }
0x38: {  	s10 =	sld [smem:$0x3FB8]  }
0x39: {  	_ = 	snop;
	(pc) =	sbr.ind lr, $3  }
0x3a: {  	_ = 	snop  }
0x3b: {  	_ = 	snop  }
0x3c: {  	p2 =	seq.s32 s10, $0x1;
	s10 =	sld [smem:$0x3FB7]  }
0x3d: {  	_ =	shalt  }
0x3e: {  	_ =	shalt  }
0x3f: {  	_ =	shalt  }
0x40: {  	_ =	shalt  }
0x41: {  	_ =	shalt  }
0x42: {  	_ =	shalt  }
0x43: {  	_ =	shalt  }
0x44: {  	_ =	shalt  }
0x45: {  	_ =	shalt  }
0x46: {  	_ =	shalt  }
0x47: {  	_ =	shalt  }
0x48: {  	_ =	shalt  }
0x49: {  	_ =	shalt  }
0x4a: {  	_ =	shalt  }
0x4b: {  	_ =	shalt  }
0x4c: {  	_ =	shalt  }
0x4d: {  	_ =	shalt  }
0x4e: {  	_ =	shalt  }
0x4f: {  	_ =	shalt  }
0x50: {  	_ =	shalt  }
0x51: {  	_ =	shalt  }
0x52: {  	_ =	shalt  }
0x53: {  	_ =	shalt  }
0x54: {  	_ =	shalt  }
0x55: {  	_ =	shalt  }
0x56: {  	_ =	shalt  }
0x57: {  	_ =	shalt  }
0x58: {  	_ =	shalt  }
0x59: {  	_ =	shalt  }
0x5a: {  	_ =	shalt  }
0x5b: {  	_ =	shalt  }
0x5c: {  	_ =	shalt  }
0x5d: {  	_ =	shalt  }
0x5e: {  	_ =	shalt  }
0x5f: {  	_ =	shalt  }
0x60: {  	_ =	shalt  }
0x61: {  	_ =	shalt  }
0x62: {  	_ =	shalt  }
0x63: {  	_ =	shalt  }
0x64: {  	_ =	shalt  }
0x65: {  	_ =	shalt  }
0x66: {  	_ =	shalt  }
0x67: {  	_ =	shalt  }
0x68: {  	_ =	shalt  }
0x69: {  	_ =	shalt  }
0x6a: {  	_ =	shalt  }
0x6b: {  	_ =	shalt  }
0x6c: {  	_ =	shalt  }
0x6d: {  	_ =	shalt  }
0x6e: {  	_ =	shalt  }
0x6f: {  	_ =	shalt  }
0x70: {  	_ =	shalt  }
0x71: {  	_ =	shalt  }
0x72: {  	_ =	shalt  }
0x73: {  	_ =	shalt  }
0x74: {  	_ =	shalt  }
0x75: {  	_ =	shalt  }
0x76: {  	_ =	shalt  }
0x77: {  	_ =	shalt  }
0x78: {  	_ =	shalt  }
0x79: {  	_ =	shalt  }
0x7a: {  	_ =	shalt  }
0x7b: {  	_ =	shalt  }
0x7c: {  	_ =	shalt  }
0x7d: {  	_ =	shalt  }
0x7e: {  	_ =	shalt  }
0x7f: {  	_ =	shalt  }
0x80: {  	_ =	shalt  }
0x81: {  	_ =	shalt  }
0x82: {  	_ =	shalt  }
0x83: {  	_ =	shalt  }
0x84: {  	_ =	shalt  }
0x85: {  	_ =	shalt  }
0x86: {  	_ =	shalt  }
0x87: {  	_ =	shalt  }
.Lfunc_end0:
.L_simem_size_0:
called_computation_lowered:
.L_overlay_start_0:
0x88: {  	s2 =	sld [smem:$0x3FD9]  }
0x89: {  	s3 =	sld [smem:$0x3FFE];
	_ =	sdelay $0x1  }
0x8a: {  	s1 =	srdreg.scid  }
0x8b: {  	s0 =	sand.u32 $0x1, s1  }
0x8c: {  	s14 =	sshll.u32 s0, $0xA;
	s2 =	sadd.s32 s3, s2  }
0x8d: {  	s2 =	sadd.s32 s2, s14  }
0x8e: {  	[smem:$0x3FC3] =	sst s2  }
0x8f: {  	_ = 	snop  }
0x90: {  	s2 =	sld [smem:$0x3FD0]  }
0x91: {  	s15 =	sld [smem:$0x3FC9]  }
0x92: {  	s4 =	sld [smem:$0x3FC8]  }
0x93: {  	s6 =	simm.s32 $0xA;
	s7 =	simm.s32 $0x10;
	s5 =	sld [smem:$0x3FC7]  }
0x94: {  	[smem:s7], [sflag:s6] =	dma.local [hbm:s2], $0x1  }
0x95: {  	_ =	swait.eq [sflag:s6], $0x1  }
0x96: {  	[sflag:s6] =	ssyncset.done $0x0  }
0x97: {  	s16 =	sld [smem:$0x10];
	[sflag:s6] =	ssyncadd.s32 $0xFFFFFFFF  }
0x98: {  	s17 =	sld [smem:$0x11];
	(tm) =	ssettm $0x1  }
0x99: {  	s18 =	sld [smem:$0x3FFB];
	_ =	sdelay $0x3  }
0x9a: {  	_ =	strace s18  }
0x9b: {  	s7 =	sld [smem:$0x3FFC];
	_ =	sdelay $0x3  }
0x9c: {  	_ =	strace s7  }
0x9d: {  	s7 =	sld [smem:$0x3FFD];
	_ =	sdelay $0x3  }
0x9e: {  	_ =	strace s7  }
0x9f: {  	_ =	strace $0x8FFFFFFF  }
0xa0: {  	s19 =	sld [smem:$0x3FDB];
	_ =	sdelay $0x1  }
0xa1: {  	s8 =	simm.s32 $_scs_section_size  }
0xa2: {  	s9 =	simm.s32 $_size__tile_overlayer_lowered;
	s10 =	simm.s32 $_tile_overlayer_lowered  }
0xa3: {  	s22 =	simm.s32 $0x1BFF;
	s21 =	sshll.u32 s10, $0x1;
	s7 =	sadd.s32 s8, s19  }
0xa4: {  	s11 =	simm.s32 $0x0;
	s20 =	sshll.u32 s9, $0x1;
	s9 =	sadd.s32 s21, s7  }
0xa5: {  	[timem:s11], [sflag:s22] =	dma.local [hbm:s9], s20  }
0xa6: {  	_ =	swait.ge [sflag:s22], s20  }
0xa7: {  	s8 =	ssub.s32 $0x0, s20;
	[sflag:s22] =	ssyncset.done $0x0  }
0xa8: {  	[sflag:s22] =	ssyncadd.s32 s8;
	_ =	sdelay $0x1  }
0xa9: {  	s23 =	simm.s32 $0x1B8B  }
0xaa: {  	_ =	swait.ge [sflag:s23], $0x1  }
0xab: {  	[sflag:s23] =	ssyncset.done $0x0  }
0xac: {  	s25 =	simm.s32 $0x1B8E;
	s24 =	sld [smem:$0x3FFE];
	[sflag:s23] =	ssyncadd.s32 $0xFFFFFFFF  }
0xad: {  	s26 =	simm.s32 $execute0_lowered;
	[smem:$0x3FD2] =	sst s25  }
0xae: {  	s9 =	sshll.u32 s26, $0x1;
	_ =	strace $0x80000046;
	[dreg:$0x1] =	wrdreg $0xFFFFFFFF  }
0xaf: {  	s28 =	simm.s32 $_size_execute0_lowered;
	s7 =	sadd.s32 s7, s9;
	[dreg:$0x0] =	wrdreg $0x0  }
0xb0: {  	s9 =	sshll.u32 s28, $0x1;
	[dreg:$0x2] =	wrdreg s7  }
0xb1: {  	[dreg:$0x3] =	wrdreg s9  }
0xb2: {  	[dreg:$0x4] =	wrdreg $0xC0  }
0xb3: {  	_ =	task [dreg:s11], $0x5FFFF  }
0xb4: {  	[dreg:$0x1] =	wrdreg $0xFFFFFFFF  }
0xb5: {  	[dreg:$0x0] =	wrdreg $0x60  }
0xb6: {  	[dreg:$0x2] =	wrdreg s15  }
0xb7: {  	[dreg:$0x3] =	wrdreg s4  }
0xb8: {  	[dreg:$0x4] =	wrdreg s5  }
0xb9: {  	[dreg:$0x5] =	wrdreg s17  }
0xba: {  	[dreg:$0x6] =	wrdreg s24  }
0xbb: {  	[dreg:$0x7] =	wrdreg s16  }
0xbc: {  	[dreg:$0x8] =	wrdreg $0x9  }
0xbd: {  	_ =	task.clear_ibuf [dreg:s11], $0x9FFFF;
	_ =	strace $0x90000046  }
0xbe: {  	s29 =	simm.s32 $0x9;
	_ =	strace $0x80000048  }
0xbf: {  	_ =	swait.ge [sflag:s29], $0x1  }
0xc0: {  	[sflag:s29] =	ssyncadd.s32 $0xFFFFFFFF  }
0xc1: {  	_ =	strace $0x90000048  }
0xc2: {  	_ =	sfence  }
0xc3: {  	s30 =	sld [smem:$0x0];
	_ =	sdelay $0x2  }
0xc4: {  	s31 =	sshll.u32 s1, $0xD;
	s1 =	sshrl.u32 s1, $0x2  }
0xc5: {  	s3 =	sand.u32 $0x4000, s31;
	s1 =	sadd.s32 s1, s30  }
0xc6: {  	s0 =	sor.u32 s3, s0;
	s1 =	sshll.u32 s1, $0x11  }
0xc7: {  	s0 =	sor.u32 s1, s0  }
0xc8: {  	s0 =	sadd.s32 $0x8F2B, s0  }
0xc9: {  	[sflag:s0] =	ssyncadd.remote.s32 $0x1  }
0xca: {  	_ =	sfence.sel $0xFFFF  }
0xcb: {  	[dreg:$0x0] =	wrdreg $0xFFFFFFFF;
	(pc) =	sbr.abs _section_cstart, $3  }
0xcc: {  	[dreg:$0x1] =	wrdreg $0xFFFFFFFF  }
0xcd: {  	_ =	task.clear_ibuf [dreg:s11], $0x2FFFF;
	_ =	strace $0x9FFFFFFF  }
0xce: {  	(tm) =	ssettm $0x7FFFFFFF  }
0xcf: {  	_ =	shalt  }
tec
execute0_lowered:
.L_overlay_start_1:
0x0: {  	(tag) =	ssettag $0x1  }
0x1: {  	s0 =	rddreg [dreg:$0x0]  }
0x2: {  	s1 =	rddreg [dreg:$0x1]  }
0x3: {  	s2 =	rddreg [dreg:$0x2]  }
0x4: {  	s3 =	srdreg.scid;
	s4 =	rddreg [dreg:$0x4]  }
0x5: {  	s6 =	rddreg [dreg:$0x5];
	s8 =	stileid.u32  }
0x6: {  	s7 =	simm.s32 $0x0;
	s12 =	simm.s32 $0x5;
	s28 =	simm.s32 $0x1D790  }
0x7: {  	s29 =	simm.s32 $0x1D7E0;
	s30 =	simm.s32 $0x1D830;
	s3 =	sand.u32 $0x1, s3  }
0x8: {  	s31 =	simm.s32 $0x1;
	s13 =	simm.s32 $0x0;
	s5 =	sshll.u32 s3, $0x4  }
0x9: {  	[smem:$0x7FF] =	sst s7;
	s3 =	ssub.s32 $0x2, s3;
	s5 =	sor.u32 s8, s5  }
0xa: {  	s11 =	sadd.s32 $0x800, s4;
	s10 =	sshrl.u32 s3, $0x1;
	s9 =	smul.u32 $0x1388, s5  }
0xb: {  	_ =	strace $0x80000047;
	s8 =	smul.u32 $0x2710, s5;
	s3 =	ssub.s32 s3, s10  }
0xc: {  	[dreg:$0x7] =	wrdreg s11;
	s5 =	smul.u32 $0x9C40, s5;
	s3 =	smax.u32 s3, $0x1  }
0xd: {  	s4 =	sadd.s32 s9, s4;
	s20 =	sshrl.u32 s8, $0x3;
	s10 =	sadd.s32 $0x50, s8  }
0xe: {  	s5 =	sshrl.u32 s5, $0x3;
	[dreg:$0x10] =	wrdreg s3;
	s21 =	sadd.s32 s0, s20  }
0xf: {  	s17 =	sadd.s32 $0xA0, s8;
	s22 =	sadd.s32 s1, s20;
	[dreg:$0x8] =	wrdreg s21  }
0x10: {  	s18 =	sadd.s32 $0xF0, s8;
	s9 =	sadd.s32 s2, s20;
	[dreg:$0x9] =	wrdreg s22  }
0x11: {  	s23 =	sshrl.u32 s10, $0x3;
	s4 =	sadd.s32 $0xA00, s4;
	[dreg:$0xa] =	wrdreg s9  }
0x12: {  	s3 =	simm.s32 $0x2;
	s24 =	sadd.s32 s0, s23;
	[dreg:$0xf] =	wrdreg s4  }
0x13: {  	s5 =	sadd.s32 s6, s5;
	s25 =	sadd.s32 s1, s23;
	[dreg:$0xb] =	wrdreg s24  }
0x14: {  	s26 =	sadd.s32 s2, s23;
	s5 =	sadd.s32 $0x1360, s5;
	[dreg:$0xc] =	wrdreg s25  }
0x15: {  	s23 =	simm.s32 $0x13880;
	s4 =	simm.s32 $0x1D650;
	[dreg:$0xd] =	wrdreg s26  }
0x16: {  	v1 =	vlaneseq.u32;
	s9 =	simm.s32 $0x1D880;
	[dreg:$0xe] =	wrdreg s5;
	s24 =	simm.s32 $0x1D560  }
0x17: {  	v0 =	vimm.f32 $0.0e+00;
	v1 =	vmul.u32 $0x4, v1;
	s25 =	simm.s32 $0x1D5B0;
	s26 =	simm.s32 $0x1D600;
	s5 =	simm.s32 $0x13920  }
.LBB2_1:
0x18: {  	s11 =	rddreg [dreg:$0x3]  }
0x19: {  	[tilespmem:s7], [sflag:$0x5] =	stream.linear.gather [hbm4b:s11+s7], $0x13880, $0x38;
	[tilespmem:$0x1D9C0] =	vst v63  }
0x1a: {  	_ =	swait.ge [sflag:s12], $0x13880  }
0x1b: {  	[sflag:s12] =	ssyncset.done $0x0  }
0x1c: {  	s22 =	rddreg [dreg:$0x7];
	[sflag:s12] =	ssyncadd.s32 $0xFFFEC780  }
0x1d: {  	[tilespmem:s23], [sflag:$0x5] =	stream.linear.gather [hbm4b:s22+s7], $0xA0, $0x38;
	[tilespmem:$0x1D9C0] =	vst v63  }
0x1e: {  	_ =	swait.ge [sflag:s12], $0xA0  }
0x1f: {  	[sflag:s12] =	ssyncset.done $0x0  }
0x20: {  	s11 =	simm.s32 $0x40;
	[sflag:s12] =	ssyncadd.s32 $0xFFFFFF60;
	s12 =	simm.s32 $0x0  }
.LBB2_2:
0x21: {  	p0 =	sne.s32 s11, $0x270C0;
	[tilespmem:s12+$0x13920] =	vst v0;
	s12 =	smov.u32 s11;
	s11 =	sadd.s32 $0x40, s11  }
.Ltmp0:
0x22: {  	(pc) =	sbr.rel @p0 .LBB2_2-.Ltmp0, $2  }
0x23: {  	_ =	sdelay $0x2  }
0x24: {  	s12 =	sshra.s32 s12, $0x2  }
0x25: {  	[tilespmem:s12+$0x13920] =	vst v0;
	s14 =	simm.s32 $0x0;
	s11 =	rddreg [dreg:$0x8]  }
0x26: {  	[tilespmem:s24], [sflag:$0x1] =	stream.linear.gather [hbm4b:s11+s14], $0x50, $0x38;
	[tilespmem:$0x1D9C0] =	vst v63  }
0x27: {  	s16 =	rddreg [dreg:$0x9]  }
0x28: {  	[tilespmem:s25], [sflag:$0x1] =	stream.linear.gather [hbm4b:s16+s14], $0x50, $0x38;
	[tilespmem:$0x1D9C0] =	vst v63  }
0x29: {  	s19 =	rddreg [dreg:$0xa]  }
0x2a: {  	[tilespmem:s26], [sflag:$0x1] =	stream.linear.gather [hbm4b:s19+s14], $0x50, $0x38;
	[tilespmem:$0x1D9C0] =	vst v63  }
0x2b: {  	s20 =	rddreg [dreg:$0xb]  }
0x2c: {  	[tilespmem:s28], [sflag:$0x2] =	stream.linear.gather [hbm4b:s20+s14], $0x50, $0x38;
	[tilespmem:$0x1D9C0] =	vst v63  }
0x2d: {  	s21 =	rddreg [dreg:$0xc]  }
0x2e: {  	[tilespmem:s29], [sflag:$0x2] =	stream.linear.gather [hbm4b:s21+s14], $0x50, $0x38;
	[tilespmem:$0x1D9C0] =	vst v63  }
0x2f: {  	s22 =	rddreg [dreg:$0xd];
	s15 =	simm.s32 $0x0  }
0x30: {  	[tilespmem:s30], [sflag:$0x2] =	stream.linear.gather [hbm4b:s22+s14], $0x50, $0x38;
	[tilespmem:$0x1D9C0] =	vst v63  }
.LBB2_4:
0x31: {  	_ =	swait.ge [sflag:s31], $0x50  }
0x32: {  	[sflag:s31] =	ssyncset.done $0x0  }
0x33: {  	[sflag:s31] =	ssyncadd.s32 $0xFFFFFFB0  }
0x34: {  	_ =	swait.ge [sflag:s31], $0x50  }
0x35: {  	[sflag:s31] =	ssyncset.done $0x0  }
0x36: {  	[sflag:s31] =	ssyncadd.s32 $0xFFFFFFB0  }
0x37: {  	_ =	swait.ge [sflag:s31], $0x50  }
0x38: {  	p0 =	seq.s32 s15, $0x0;
	[sflag:s31] =	ssyncset.done $0x0  }
0x39: {  	s11 =	simm.s32 @!p0 $0x3;
	[sflag:s31] =	ssyncadd.s32 $0xFFFFFFB0  }
0x3a: {  	_ =	swait.ge @!p0 [sflag:s11], $0x140  }
0x3b: {  	[sflag:s11] =	ssyncset.done @!p0 $0x0  }
0x3c: {  	s19 =	simm.s32 $0x1D5B0;
	[sflag:s11] =	ssyncadd.s32 @!p0 $0xFFFFFEC0  }
0x3d: {  	s20 =	simm.s32 $0x1D560;
	v2 =	vld [tilespmem:s19+$0x0]  }
0x3e: {  	v3 =	vld [tilespmem:s20+$0x0];
	_ =	sdelay $0x1  }
0x3f: {  	s21 =	simm.s32 $0x1D600  }
0x40: {  	v4 =	vld [tilespmem:s21+$0x0];
	_ =	sdelay $0x1  }
0x41: {  	v5 =	vshll.u32 v2, $0x3;
	v3 =	vshll.u32 v3, $0x3  }
0x42: {  	v6 =	vor.u32 $0x4, v5;
	_ =	sdelay $0x1  }
0x43: {  	v4 =	vshll.u32 v4, $0x2;
	_ =	sdelay $0x1  }
0x44: {  	v7 =	vld.idx.msk [tilespmem:v3+s7+$0x0], $0xffff  }
0x45: {  	v6 =	vld.idx.msk [tilespmem:v6+s7+$0x0], $0xffff;
	_ =	sdelay $0x1  }
0x46: {  	v8 =	vld.idx.msk [tilespmem:v4+s23+$0x0], $0xffff;
	_ =	sdelay $0x2  }
0x47: {  	v6 =	vadd.f32 v6, v7;
	_ =	sdelay $0x1  }
0x48: {  	v6 =	vadd.f32 v8, v6;
	_ =	sdelay $0x1  }
0x49: {  	v50 =	vmul.f32 $2.000000030e-01, v6;
	_ =	sdelay $0x1  }
0x4a: {  	v6 =	vmax.f32 v6, v50  }
0x4b: {  	v6 =	vmul.f32 $1.442695020e+00, v6;
	_ =	sdelay $0x1  }
0x4c: {  	(erf) = vpow2.f32 v6;
	_ =	sdelay $0x2  }
0x4d: {  	v51 =	vmov s14  }
0x4e: {  	v6 =	vshll.u32 v51, $0x2  }
0x4f: {  	v6 =	vor.u32 v1, v6;
	_ =	sdelay $0x1  }
0x50: {  	v52 =	vor.u32 $0x1, v3  }
0x51: {  	v53 =	vor.u32 $0x5, v5  }
0x52: {  	v9 =	vpop (erf)  }
0x53: {  	v10 =	vor.u32 $0x1, v4;
	[tilespmem:v6+s4+$0x0] =	vst.idx.msk $0xffff, v9  }
0x54: {  	[tilespmem:v2+s5+$0x0] =	vst.idx.add.f32.msk $0xffff, v9  }
0x55: {  	v7 =	vld.idx.msk [tilespmem:v52+s7+$0x0], $0xffff  }
0x56: {  	v8 =	vld.idx.msk [tilespmem:v53+s7+$0x0], $0xffff;
	_ =	sdelay $0x1  }
0x57: {  	v9 =	vld.idx.msk [tilespmem:v10+s23+$0x0], $0xffff;
	_ =	sdelay $0x2  }
0x58: {  	v7 =	vadd.f32 v8, v7;
	_ =	sdelay $0x1  }
0x59: {  	v7 =	vadd.f32 v9, v7;
	_ =	sdelay $0x1  }
0x5a: {  	v54 =	vmul.f32 $2.000000030e-01, v7;
	_ =	sdelay $0x1  }
0x5b: {  	v7 =	vmax.f32 v7, v54  }
0x5c: {  	v7 =	vmul.f32 $1.442695020e+00, v7;
	_ =	sdelay $0x1  }
0x5d: {  	(erf) = vpow2.f32 v7;
	_ =	sdelay $0x4  }
0x5e: {  	v55 =	vor.u32 $0x1, v6  }
0x5f: {  	v56 =	vadd.s32 $0x2710, v2  }
0x60: {  	v57 =	vor.u32 $0x2, v3  }
0x61: {  	v58 =	vor.u32 $0x6, v5  }
0x62: {  	v11 =	vpop (erf)  }
0x63: {  	v59 =	vor.u32 $0x2, v4;
	[tilespmem:v55+s4+$0x0] =	vst.idx.msk $0xffff, v11  }
0x64: {  	[tilespmem:v56+s5+$0x0] =	vst.idx.add.f32.msk $0xffff, v11  }
0x65: {  	v8 =	vld.idx.msk [tilespmem:v57+s7+$0x0], $0xffff  }
0x66: {  	v60 =	vld.idx.msk [tilespmem:v58+s7+$0x0], $0xffff;
	_ =	sdelay $0x1  }
0x67: {  	v7 =	vld.idx.msk [tilespmem:v59+s23+$0x0], $0xffff;
	_ =	sdelay $0x2  }
0x68: {  	v8 =	vadd.f32 v60, v8;
	_ =	sdelay $0x1  }
0x69: {  	v7 =	vadd.f32 v7, v8;
	_ =	sdelay $0x1  }
0x6a: {  	v8 =	vmul.f32 $2.000000030e-01, v7;
	_ =	sdelay $0x1  }
0x6b: {  	v7 =	vmax.f32 v7, v8  }
0x6c: {  	v7 =	vmul.f32 $1.442695020e+00, v7;
	_ =	sdelay $0x1  }
0x6d: {  	(erf) = vpow2.f32 v7;
	_ =	sdelay $0x4  }
0x6e: {  	v61 =	vor.u32 $0x2, v6  }
0x6f: {  	v62 =	vadd.s32 $0x4E20, v2  }
0x70: {  	v3 =	vor.u32 $0x3, v3  }
0x71: {  	v5 =	vor.u32 $0x7, v5  }
0x72: {  	v63 =	vpop (erf)  }
0x73: {  	v4 =	vor.u32 $0x3, v4;
	[tilespmem:v61+s4+$0x0] =	vst.idx.msk $0xffff, v63  }
0x74: {  	[tilespmem:v62+s5+$0x0] =	vst.idx.add.f32.msk $0xffff, v63  }
0x75: {  	v3 =	vld.idx.msk [tilespmem:v3+s7+$0x0], $0xffff  }
0x76: {  	v5 =	vld.idx.msk [tilespmem:v5+s7+$0x0], $0xffff;
	_ =	sdelay $0x1  }
0x77: {  	v4 =	vld.idx.msk [tilespmem:v4+s23+$0x0], $0xffff;
	_ =	sdelay $0x2  }
0x78: {  	v3 =	vadd.f32 v5, v3;
	_ =	sdelay $0x1  }
0x79: {  	v3 =	vadd.f32 v4, v3;
	_ =	sdelay $0x1  }
0x7a: {  	v4 =	vmul.f32 $2.000000030e-01, v3;
	_ =	sdelay $0x1  }
0x7b: {  	v3 =	vmax.f32 v3, v4  }
0x7c: {  	v3 =	vmul.f32 $1.442695020e+00, v3;
	_ =	sdelay $0x1  }
0x7d: {  	(erf) = vpow2.f32 v3;
	_ =	sdelay $0x3  }
0x7e: {  	s16 =	smul.u32 $0xA0, s15  }
0x7f: {  	v3 =	vor.u32 $0x3, v6  }
0x80: {  	s12 =	sadd.s32 s8, s16;
	s11 =	simm.s32 $0x10;
	v2 =	vadd.s32 $0x7530, v2  }
.LBB2_5:
0x81: {  	s20 =	sadd.s32 $0x10, s20;
	s19 =	sadd.s32 $0x10, s19;
	s21 =	sadd.s32 $0x10, s21  }
0x82: {  	p1 =	sne.s32 s11, $0x40;
	s22 =	smov.u32 s11;
	s11 =	sadd.s32 $0x10, s11  }
0x83: {  	v4 =	vpop (erf)  }
0x84: {  	[tilespmem:v3+s4+$0x0] =	vst.idx.msk $0xffff, v4  }
0x85: {  	[tilespmem:v2+s5+$0x0] =	vst.idx.add.f32.msk $0xffff, v4  }
0x86: {  	v2 =	vld [tilespmem:s19+$0x0]  }
0x87: {  	v4 =	vld [tilespmem:s20+$0x0];
	_ =	sdelay $0x2  }
0x88: {  	v6 =	vld [tilespmem:s21+$0x0]  }
0x89: {  	v3 =	vshll.u32 v2, $0x3  }
0x8a: {  	v5 =	vshll.u32 v4, $0x3;
	v4 =	vor.u32 $0x4, v3;
	_ =	sdelay $0x2  }
0x8b: {  	v6 =	vshll.u32 v6, $0x2;
	_ =	sdelay $0x1  }
0x8c: {  	v4 =	vld.idx.msk [tilespmem:v4+s7+$0x0], $0xffff  }
0x8d: {  	v7 =	vld.idx.msk [tilespmem:v5+s7+$0x0], $0xffff;
	_ =	sdelay $0x1  }
0x8e: {  	v8 =	vld.idx.msk [tilespmem:v6+s23+$0x0], $0xffff;
	_ =	sdelay $0x3  }
0x8f: {  	v4 =	vadd.f32 v4, v7;
	_ =	sdelay $0x1  }
0x90: {  	v4 =	vadd.f32 v8, v4;
	_ =	sdelay $0x1  }
0x91: {  	v7 =	vmul.f32 $2.000000030e-01, v4;
	_ =	sdelay $0x1  }
0x92: {  	v4 =	vmax.f32 v4, v7  }
0x93: {  	v4 =	vmul.f32 $1.442695020e+00, v4;
	_ =	sdelay $0x1  }
0x94: {  	(erf) = vpow2.f32 v4;
	_ =	sdelay $0x2  }
0x95: {  	v4 =	vmov s22  }
0x96: {  	v4 =	vshll.u32 v4, $0x2  }
0x97: {  	v4 =	vor.u32 v1, v4;
	_ =	sdelay $0x1  }
0x98: {  	v7 =	vor.u32 $0x1, v5  }
0x99: {  	v8 =	vor.u32 $0x5, v3  }
0x9a: {  	v9 =	vpop (erf)  }
0x9b: {  	v10 =	vor.u32 $0x1, v6;
	[tilespmem:v4+s4+$0x0] =	vst.idx.msk $0xffff, v9  }
0x9c: {  	[tilespmem:v2+s5+$0x0] =	vst.idx.add.f32.msk $0xffff, v9  }
0x9d: {  	v7 =	vld.idx.msk [tilespmem:v7+s7+$0x0], $0xffff  }
0x9e: {  	v8 =	vld.idx.msk [tilespmem:v8+s7+$0x0], $0xffff;
	_ =	sdelay $0x1  }
0x9f: {  	v9 =	vld.idx.msk [tilespmem:v10+s23+$0x0], $0xffff;
	_ =	sdelay $0x3  }
0xa0: {  	v7 =	vadd.f32 v8, v7;
	_ =	sdelay $0x1  }
0xa1: {  	v7 =	vadd.f32 v9, v7;
	_ =	sdelay $0x1  }
0xa2: {  	v8 =	vmul.f32 $2.000000030e-01, v7;
	_ =	sdelay $0x1  }
0xa3: {  	v7 =	vmax.f32 v7, v8  }
0xa4: {  	v7 =	vmul.f32 $1.442695020e+00, v7;
	_ =	sdelay $0x1  }
0xa5: {  	(erf) = vpow2.f32 v7;
	_ =	sdelay $0x4  }
0xa6: {  	v7 =	vor.u32 $0x1, v4  }
0xa7: {  	v8 =	vadd.s32 $0x2710, v2  }
0xa8: {  	v9 =	vor.u32 $0x2, v5  }
0xa9: {  	v10 =	vor.u32 $0x6, v3  }
0xaa: {  	v11 =	vpop (erf)  }
0xab: {  	[tilespmem:v7+s4+$0x0] =	vst.idx.msk $0xffff, v11;
	v7 =	vor.u32 $0x2, v6  }
0xac: {  	[tilespmem:v8+s5+$0x0] =	vst.idx.add.f32.msk $0xffff, v11  }
0xad: {  	v8 =	vld.idx.msk [tilespmem:v9+s7+$0x0], $0xffff  }
0xae: {  	v9 =	vld.idx.msk [tilespmem:v10+s7+$0x0], $0xffff;
	_ =	sdelay $0x1  }
0xaf: {  	v7 =	vld.idx.msk [tilespmem:v7+s23+$0x0], $0xffff;
	_ =	sdelay $0x3  }
0xb0: {  	v8 =	vadd.f32 v9, v8;
	_ =	sdelay $0x1  }
0xb1: {  	v7 =	vadd.f32 v7, v8;
	_ =	sdelay $0x1  }
0xb2: {  	v8 =	vmul.f32 $2.000000030e-01, v7;
	_ =	sdelay $0x1  }
0xb3: {  	v7 =	vmax.f32 v7, v8  }
0xb4: {  	v7 =	vmul.f32 $1.442695020e+00, v7;
	_ =	sdelay $0x1  }
0xb5: {  	(erf) = vpow2.f32 v7;
	_ =	sdelay $0x4  }
0xb6: {  	v7 =	vor.u32 $0x2, v4  }
0xb7: {  	v8 =	vadd.s32 $0x4E20, v2  }
0xb8: {  	v5 =	vor.u32 $0x3, v5  }
0xb9: {  	v3 =	vor.u32 $0x7, v3  }
0xba: {  	v6 =	vor.u32 $0x3, v6;
	v9 =	vpop (erf)  }
0xbb: {  	[tilespmem:v7+s4+$0x0] =	vst.idx.msk $0xffff, v9  }
0xbc: {  	[tilespmem:v8+s5+$0x0] =	vst.idx.add.f32.msk $0xffff, v9  }
0xbd: {  	v5 =	vld.idx.msk [tilespmem:v5+s7+$0x0], $0xffff  }
0xbe: {  	v3 =	vld.idx.msk [tilespmem:v3+s7+$0x0], $0xffff  }
0xbf: {  	v6 =	vld.idx.msk [tilespmem:v6+s23+$0x0], $0xffff;
	_ =	sdelay $0x4  }
0xc0: {  	v3 =	vadd.f32 v3, v5;
	_ =	sdelay $0x1  }
0xc1: {  	v3 =	vadd.f32 v6, v3;
	_ =	sdelay $0x1  }
0xc2: {  	v5 =	vmul.f32 $2.000000030e-01, v3;
	_ =	sdelay $0x1  }
0xc3: {  	v3 =	vmax.f32 v3, v5  }
0xc4: {  	v3 =	vmul.f32 $1.442695020e+00, v3;
	_ =	sdelay $0x1  }
0xc5: {  	(erf) = vpow2.f32 v3;
	_ =	sdelay $0x1  }
.Ltmp1:
0xc6: {  	(pc) =	sbr.rel @p1 .LBB2_5-.Ltmp1, $3  }
0xc7: {  	_ =	sdelay $0x1  }
0xc8: {  	v3 =	vor.u32 $0x3, v4  }
0xc9: {  	v2 =	vadd.s32 $0x7530, v2  }
0xca: {  	_ =	sdelay $0x2  }
0xcb: {  	v4 =	vpop (erf)  }
0xcc: {  	s11 =	sshrl.u32 s12, $0x1;
	[tilespmem:v3+s4+$0x0] =	vst.idx.msk $0xffff, v4  }
0xcd: {  	s19 =	sadd.s32 s16, s17;
	s11 =	sadd.s32 s6, s11;
	[tilespmem:v2+s5+$0x0] =	vst.idx.add.f32.msk $0xffff, v4  }
0xce: {  	[hbm4b:s11+s7] =	stream.linear.scatter [tilespmem:s4], [sflag:$0x3], $0x140, $0x38;
	[tilespmem:$0x1D9C0] =	vst v63  }
0xcf: {  	s11 =	sshrl.u32 s19, $0x3  }
0xd0: {  	s20 =	sadd.s32 s0, s11  }
0xd1: {  	[tilespmem:s24], [sflag:$0x1] =	stream.linear.gather [hbm4b:s20+s7], $0x50, $0x38;
	[tilespmem:$0x1D9C0] =	vst v63  }
0xd2: {  	s21 =	sadd.s32 s1, s11  }
0xd3: {  	[tilespmem:s25], [sflag:$0x1] =	stream.linear.gather [hbm4b:s21+s7], $0x50, $0x38;
	[tilespmem:$0x1D9C0] =	vst v63  }
0xd4: {  	s11 =	sadd.s32 s2, s11  }
0xd5: {  	[tilespmem:s26], [sflag:$0x1] =	stream.linear.gather [hbm4b:s11+s7], $0x50, $0x38;
	[tilespmem:$0x1D9C0] =	vst v63  }
0xd6: {  	_ =	swait.ge [sflag:s3], $0x50  }
0xd7: {  	[sflag:s3] =	ssyncset.done $0x0  }
0xd8: {  	[sflag:s3] =	ssyncadd.s32 $0xFFFFFFB0  }
0xd9: {  	_ =	swait.ge [sflag:s3], $0x50  }
0xda: {  	[sflag:s3] =	ssyncset.done $0x0  }
0xdb: {  	[sflag:s3] =	ssyncadd.s32 $0xFFFFFFB0  }
0xdc: {  	_ =	swait.ge [sflag:s3], $0x50  }
0xdd: {  	[sflag:s3] =	ssyncset.done $0x0  }
0xde: {  	s11 =	simm.s32 @!p0 $0x4;
	[sflag:s3] =	ssyncadd.s32 $0xFFFFFFB0  }
0xdf: {  	_ =	swait.ge @!p0 [sflag:s11], $0x140  }
0xe0: {  	[sflag:s11] =	ssyncset.done @!p0 $0x0  }
0xe1: {  	s19 =	simm.s32 $0x1D7E0;
	[sflag:s11] =	ssyncadd.s32 @!p0 $0xFFFFFEC0  }
0xe2: {  	s20 =	simm.s32 $0x1D790;
	v2 =	vld [tilespmem:s19+$0x0]  }
0xe3: {  	v3 =	vld [tilespmem:s20+$0x0];
	_ =	sdelay $0x1  }
0xe4: {  	s21 =	simm.s32 $0x1D830  }
0xe5: {  	v4 =	vld [tilespmem:s21+$0x0];
	_ =	sdelay $0x1  }
0xe6: {  	v5 =	vshll.u32 v2, $0x3;
	v3 =	vshll.u32 v3, $0x3  }
0xe7: {  	v6 =	vor.u32 $0x4, v5;
	_ =	sdelay $0x1  }
0xe8: {  	v4 =	vshll.u32 v4, $0x2;
	_ =	sdelay $0x1  }
0xe9: {  	v7 =	vld.idx.msk [tilespmem:v3+s7+$0x0], $0xffff  }
0xea: {  	v6 =	vld.idx.msk [tilespmem:v6+s7+$0x0], $0xffff;
	_ =	sdelay $0x1  }
0xeb: {  	v8 =	vld.idx.msk [tilespmem:v4+s23+$0x0], $0xffff;
	_ =	sdelay $0x2  }
0xec: {  	v6 =	vadd.f32 v6, v7;
	_ =	sdelay $0x1  }
0xed: {  	v6 =	vadd.f32 v8, v6;
	_ =	sdelay $0x1  }
0xee: {  	v50 =	vmul.f32 $2.000000030e-01, v6;
	_ =	sdelay $0x1  }
0xef: {  	v6 =	vmax.f32 v6, v50  }
0xf0: {  	v6 =	vmul.f32 $1.442695020e+00, v6;
	_ =	sdelay $0x1  }
0xf1: {  	(erf) = vpow2.f32 v6;
	_ =	sdelay $0x1  }
0xf2: {  	s22 =	simm.s32 $0x0  }
0xf3: {  	v51 =	vmov s22  }
0xf4: {  	v6 =	vshll.u32 v51, $0x2  }
0xf5: {  	v6 =	vor.u32 v1, v6;
	_ =	sdelay $0x1  }
0xf6: {  	v52 =	vor.u32 $0x1, v3  }
0xf7: {  	v53 =	vor.u32 $0x5, v5  }
0xf8: {  	v9 =	vpop (erf)  }
0xf9: {  	v10 =	vor.u32 $0x1, v4;
	[tilespmem:v6+s9+$0x0] =	vst.idx.msk $0xffff, v9  }
0xfa: {  	[tilespmem:v2+s5+$0x0] =	vst.idx.add.f32.msk $0xffff, v9  }
0xfb: {  	v7 =	vld.idx.msk [tilespmem:v52+s7+$0x0], $0xffff  }
0xfc: {  	v8 =	vld.idx.msk [tilespmem:v53+s7+$0x0], $0xffff;
	_ =	sdelay $0x1  }
0xfd: {  	v9 =	vld.idx.msk [tilespmem:v10+s23+$0x0], $0xffff;
	_ =	sdelay $0x2  }
0xfe: {  	v7 =	vadd.f32 v8, v7;
	_ =	sdelay $0x1  }
0xff: {  	v7 =	vadd.f32 v9, v7;
	_ =	sdelay $0x1  }
0x100: {  	v54 =	vmul.f32 $2.000000030e-01, v7;
	_ =	sdelay $0x1  }
0x101: {  	v7 =	vmax.f32 v7, v54  }
0x102: {  	v7 =	vmul.f32 $1.442695020e+00, v7;
	_ =	sdelay $0x1  }
0x103: {  	(erf) = vpow2.f32 v7;
	_ =	sdelay $0x4  }
0x104: {  	v55 =	vor.u32 $0x1, v6  }
0x105: {  	v56 =	vadd.s32 $0x2710, v2  }
0x106: {  	v57 =	vor.u32 $0x2, v3  }
0x107: {  	v58 =	vor.u32 $0x6, v5  }
0x108: {  	v11 =	vpop (erf)  }
0x109: {  	v59 =	vor.u32 $0x2, v4;
	[tilespmem:v55+s9+$0x0] =	vst.idx.msk $0xffff, v11  }
0x10a: {  	[tilespmem:v56+s5+$0x0] =	vst.idx.add.f32.msk $0xffff, v11  }
0x10b: {  	v8 =	vld.idx.msk [tilespmem:v57+s7+$0x0], $0xffff  }
0x10c: {  	v60 =	vld.idx.msk [tilespmem:v58+s7+$0x0], $0xffff;
	_ =	sdelay $0x1  }
0x10d: {  	v7 =	vld.idx.msk [tilespmem:v59+s23+$0x0], $0xffff;
	_ =	sdelay $0x2  }
0x10e: {  	v8 =	vadd.f32 v60, v8;
	_ =	sdelay $0x1  }
0x10f: {  	v7 =	vadd.f32 v7, v8;
	_ =	sdelay $0x1  }
0x110: {  	v8 =	vmul.f32 $2.000000030e-01, v7;
	_ =	sdelay $0x1  }
0x111: {  	v7 =	vmax.f32 v7, v8  }
0x112: {  	v7 =	vmul.f32 $1.442695020e+00, v7;
	_ =	sdelay $0x1  }
0x113: {  	(erf) = vpow2.f32 v7;
	_ =	sdelay $0x4  }
0x114: {  	v61 =	vor.u32 $0x2, v6  }
0x115: {  	v62 =	vadd.s32 $0x4E20, v2  }
0x116: {  	v3 =	vor.u32 $0x3, v3  }
0x117: {  	v5 =	vor.u32 $0x7, v5  }
0x118: {  	v63 =	vpop (erf)  }
0x119: {  	v4 =	vor.u32 $0x3, v4;
	[tilespmem:v61+s9+$0x0] =	vst.idx.msk $0xffff, v63  }
0x11a: {  	[tilespmem:v62+s5+$0x0] =	vst.idx.add.f32.msk $0xffff, v63  }
0x11b: {  	v3 =	vld.idx.msk [tilespmem:v3+s7+$0x0], $0xffff  }
0x11c: {  	v5 =	vld.idx.msk [tilespmem:v5+s7+$0x0], $0xffff;
	_ =	sdelay $0x1  }
0x11d: {  	v4 =	vld.idx.msk [tilespmem:v4+s23+$0x0], $0xffff;
	_ =	sdelay $0x2  }
0x11e: {  	v3 =	vadd.f32 v5, v3;
	_ =	sdelay $0x1  }
0x11f: {  	v3 =	vadd.f32 v4, v3;
	_ =	sdelay $0x1  }
0x120: {  	v4 =	vmul.f32 $2.000000030e-01, v3;
	_ =	sdelay $0x1  }
0x121: {  	v3 =	vmax.f32 v3, v4  }
0x122: {  	v3 =	vmul.f32 $1.442695020e+00, v3;
	_ =	sdelay $0x1  }
0x123: {  	(erf) = vpow2.f32 v3;
	_ =	sdelay $0x4  }
0x124: {  	v3 =	vor.u32 $0x3, v6  }
0x125: {  	s12 =	sadd.s32 s16, s10;
	s11 =	simm.s32 $0x10;
	v2 =	vadd.s32 $0x7530, v2  }
.LBB2_7:
0x126: {  	s20 =	sadd.s32 $0x10, s20;
	s19 =	sadd.s32 $0x10, s19;
	s21 =	sadd.s32 $0x10, s21  }
0x127: {  	p0 =	sne.s32 s11, $0x40;
	s22 =	smov.u32 s11;
	s11 =	sadd.s32 $0x10, s11  }
0x128: {  	v4 =	vpop (erf)  }
0x129: {  	[tilespmem:v3+s9+$0x0] =	vst.idx.msk $0xffff, v4  }
0x12a: {  	[tilespmem:v2+s5+$0x0] =	vst.idx.add.f32.msk $0xffff, v4  }
0x12b: {  	v2 =	vld [tilespmem:s19+$0x0]  }
0x12c: {  	v4 =	vld [tilespmem:s20+$0x0];
	_ =	sdelay $0x2  }
0x12d: {  	v6 =	vld [tilespmem:s21+$0x0]  }
0x12e: {  	v3 =	vshll.u32 v2, $0x3  }
0x12f: {  	v5 =	vshll.u32 v4, $0x3;
	v4 =	vor.u32 $0x4, v3;
	_ =	sdelay $0x2  }
0x130: {  	v6 =	vshll.u32 v6, $0x2;
	_ =	sdelay $0x1  }
0x131: {  	v4 =	vld.idx.msk [tilespmem:v4+s7+$0x0], $0xffff  }
0x132: {  	v7 =	vld.idx.msk [tilespmem:v5+s7+$0x0], $0xffff;
	_ =	sdelay $0x1  }
0x133: {  	v8 =	vld.idx.msk [tilespmem:v6+s23+$0x0], $0xffff;
	_ =	sdelay $0x3  }
0x134: {  	v4 =	vadd.f32 v4, v7;
	_ =	sdelay $0x1  }
0x135: {  	v4 =	vadd.f32 v8, v4;
	_ =	sdelay $0x1  }
0x136: {  	v7 =	vmul.f32 $2.000000030e-01, v4;
	_ =	sdelay $0x1  }
0x137: {  	v4 =	vmax.f32 v4, v7  }
0x138: {  	v4 =	vmul.f32 $1.442695020e+00, v4;
	_ =	sdelay $0x1  }
0x139: {  	(erf) = vpow2.f32 v4;
	_ =	sdelay $0x2  }
0x13a: {  	v4 =	vmov s22  }
0x13b: {  	v4 =	vshll.u32 v4, $0x2  }
0x13c: {  	v4 =	vor.u32 v1, v4;
	_ =	sdelay $0x1  }
0x13d: {  	v7 =	vor.u32 $0x1, v5  }
0x13e: {  	v8 =	vor.u32 $0x5, v3  }
0x13f: {  	v9 =	vpop (erf)  }
0x140: {  	v10 =	vor.u32 $0x1, v6;
	[tilespmem:v4+s9+$0x0] =	vst.idx.msk $0xffff, v9  }
0x141: {  	[tilespmem:v2+s5+$0x0] =	vst.idx.add.f32.msk $0xffff, v9  }
0x142: {  	v7 =	vld.idx.msk [tilespmem:v7+s7+$0x0], $0xffff  }
0x143: {  	v8 =	vld.idx.msk [tilespmem:v8+s7+$0x0], $0xffff;
	_ =	sdelay $0x1  }
0x144: {  	v9 =	vld.idx.msk [tilespmem:v10+s23+$0x0], $0xffff;
	_ =	sdelay $0x3  }
0x145: {  	v7 =	vadd.f32 v8, v7;
	_ =	sdelay $0x1  }
0x146: {  	v7 =	vadd.f32 v9, v7;
	_ =	sdelay $0x1  }
0x147: {  	v8 =	vmul.f32 $2.000000030e-01, v7;
	_ =	sdelay $0x1  }
0x148: {  	v7 =	vmax.f32 v7, v8  }
0x149: {  	v7 =	vmul.f32 $1.442695020e+00, v7;
	_ =	sdelay $0x1  }
0x14a: {  	(erf) = vpow2.f32 v7;
	_ =	sdelay $0x4  }
0x14b: {  	v7 =	vor.u32 $0x1, v4  }
0x14c: {  	v8 =	vadd.s32 $0x2710, v2  }
0x14d: {  	v9 =	vor.u32 $0x2, v5  }
0x14e: {  	v10 =	vor.u32 $0x6, v3  }
0x14f: {  	v11 =	vpop (erf)  }
0x150: {  	[tilespmem:v7+s9+$0x0] =	vst.idx.msk $0xffff, v11;
	v7 =	vor.u32 $0x2, v6  }
0x151: {  	[tilespmem:v8+s5+$0x0] =	vst.idx.add.f32.msk $0xffff, v11  }
0x152: {  	v8 =	vld.idx.msk [tilespmem:v9+s7+$0x0], $0xffff  }
0x153: {  	v9 =	vld.idx.msk [tilespmem:v10+s7+$0x0], $0xffff;
	_ =	sdelay $0x1  }
0x154: {  	v7 =	vld.idx.msk [tilespmem:v7+s23+$0x0], $0xffff;
	_ =	sdelay $0x3  }
0x155: {  	v8 =	vadd.f32 v9, v8;
	_ =	sdelay $0x1  }
0x156: {  	v7 =	vadd.f32 v7, v8;
	_ =	sdelay $0x1  }
0x157: {  	v8 =	vmul.f32 $2.000000030e-01, v7;
	_ =	sdelay $0x1  }
0x158: {  	v7 =	vmax.f32 v7, v8  }
0x159: {  	v7 =	vmul.f32 $1.442695020e+00, v7;
	_ =	sdelay $0x1  }
0x15a: {  	(erf) = vpow2.f32 v7;
	_ =	sdelay $0x4  }
0x15b: {  	v7 =	vor.u32 $0x2, v4  }
0x15c: {  	v8 =	vadd.s32 $0x4E20, v2  }
0x15d: {  	v5 =	vor.u32 $0x3, v5  }
0x15e: {  	v3 =	vor.u32 $0x7, v3  }
0x15f: {  	v6 =	vor.u32 $0x3, v6;
	v9 =	vpop (erf)  }
0x160: {  	[tilespmem:v7+s9+$0x0] =	vst.idx.msk $0xffff, v9  }
0x161: {  	[tilespmem:v8+s5+$0x0] =	vst.idx.add.f32.msk $0xffff, v9  }
0x162: {  	v5 =	vld.idx.msk [tilespmem:v5+s7+$0x0], $0xffff  }
0x163: {  	v3 =	vld.idx.msk [tilespmem:v3+s7+$0x0], $0xffff  }
0x164: {  	v6 =	vld.idx.msk [tilespmem:v6+s23+$0x0], $0xffff;
	_ =	sdelay $0x4  }
0x165: {  	v3 =	vadd.f32 v3, v5;
	_ =	sdelay $0x1  }
0x166: {  	v3 =	vadd.f32 v6, v3;
	_ =	sdelay $0x1  }
0x167: {  	v5 =	vmul.f32 $2.000000030e-01, v3;
	_ =	sdelay $0x1  }
0x168: {  	v3 =	vmax.f32 v3, v5  }
0x169: {  	v3 =	vmul.f32 $1.442695020e+00, v3;
	_ =	sdelay $0x1  }
0x16a: {  	(erf) = vpow2.f32 v3;
	_ =	sdelay $0x1  }
.Ltmp2:
0x16b: {  	(pc) =	sbr.rel @p0 .LBB2_7-.Ltmp2, $3  }
0x16c: {  	_ =	sdelay $0x1  }
0x16d: {  	v3 =	vor.u32 $0x3, v4  }
0x16e: {  	v2 =	vadd.s32 $0x7530, v2  }
0x16f: {  	_ = 	snop  }
0x170: {  	p0 =	seq.s32 s15, $0x3D  }
.Ltmp3:
0x171: {  	_ = 	snop;
	(pc) =	sbr.rel @p0 .LBB2_10-.Ltmp3, $4  }
0x172: {  	v4 =	vpop (erf)  }
0x173: {  	s11 =	sshrl.u32 s12, $0x1;
	[tilespmem:v3+s9+$0x0] =	vst.idx.msk $0xffff, v4  }
0x174: {  	s11 =	sadd.s32 s6, s11;
	[tilespmem:v2+s5+$0x0] =	vst.idx.add.f32.msk $0xffff, v4  }
0x175: {  	[hbm4b:s11+s7] =	stream.linear.scatter [tilespmem:s9], [sflag:$0x4], $0x140, $0x38;
	[tilespmem:$0x1D9C0] =	vst v63  }
0x176: {  	s11 =	sadd.s32 s16, s18  }
0x177: {  	s11 =	sshrl.u32 s11, $0x3  }
0x178: {  	s12 =	sadd.s32 s0, s11  }
0x179: {  	[tilespmem:s28], [sflag:$0x2] =	stream.linear.gather [hbm4b:s12+s7], $0x50, $0x38;
	[tilespmem:$0x1D9C0] =	vst v63  }
.Ltmp4:
0x17a: {  	_ = 	snop;
	(pc) =	sbr.rel .LBB2_4-.Ltmp4, $4  }
0x17b: {  	s22 =	sadd.s32 s1, s11  }
0x17c: {  	[tilespmem:s29], [sflag:$0x2] =	stream.linear.gather [hbm4b:s22+s7], $0x50, $0x38;
	[tilespmem:$0x1D9C0] =	vst v63  }
0x17d: {  	s15 =	sadd.s32 $0x1, s15;
	s11 =	sadd.s32 s2, s11  }
0x17e: {  	[tilespmem:s30], [sflag:$0x2] =	stream.linear.gather [hbm4b:s11+s7], $0x50, $0x38;
	[tilespmem:$0x1D9C0] =	vst v63  }
.LBB2_10:
0x17f: {  	_ =	swait.ge [sflag:s31], $0x50  }
0x180: {  	[sflag:s31] =	ssyncset.done $0x0  }
0x181: {  	[sflag:s31] =	ssyncadd.s32 $0xFFFFFFB0  }
0x182: {  	_ =	swait.ge [sflag:s31], $0x50  }
0x183: {  	[sflag:s31] =	ssyncset.done $0x0  }
0x184: {  	[sflag:s31] =	ssyncadd.s32 $0xFFFFFFB0  }
0x185: {  	_ =	swait.ge [sflag:s31], $0x50  }
0x186: {  	[sflag:s31] =	ssyncset.done $0x0  }
0x187: {  	s19 =	simm.s32 $0x3;
	[sflag:s31] =	ssyncadd.s32 $0xFFFFFFB0  }
0x188: {  	_ =	swait.ge [sflag:s19], $0x140  }
0x189: {  	[sflag:s19] =	ssyncset.done $0x0  }
0x18a: {  	s14 =	simm.s32 $0x1D5B0;
	[sflag:s19] =	ssyncadd.s32 $0xFFFFFEC0  }
0x18b: {  	s15 =	simm.s32 $0x1D560;
	v2 =	vld [tilespmem:s14+$0x0]  }
0x18c: {  	v3 =	vld [tilespmem:s15+$0x0];
	_ =	sdelay $0x1  }
0x18d: {  	s16 =	simm.s32 $0x1D600  }
0x18e: {  	v4 =	vld [tilespmem:s16+$0x0];
	_ =	sdelay $0x1  }
0x18f: {  	v5 =	vshll.u32 v2, $0x3;
	v3 =	vshll.u32 v3, $0x3  }
0x190: {  	v6 =	vor.u32 $0x4, v5;
	_ =	sdelay $0x1  }
0x191: {  	v4 =	vshll.u32 v4, $0x2;
	_ =	sdelay $0x1  }
0x192: {  	v7 =	vld.idx.msk [tilespmem:v3+s7+$0x0], $0xffff  }
0x193: {  	v6 =	vld.idx.msk [tilespmem:v6+s7+$0x0], $0xffff;
	_ =	sdelay $0x1  }
0x194: {  	v8 =	vld.idx.msk [tilespmem:v4+s23+$0x0], $0xffff;
	_ =	sdelay $0x2  }
0x195: {  	v6 =	vadd.f32 v6, v7;
	_ =	sdelay $0x1  }
0x196: {  	v6 =	vadd.f32 v8, v6;
	_ =	sdelay $0x1  }
0x197: {  	v50 =	vmul.f32 $2.000000030e-01, v6;
	_ =	sdelay $0x1  }
0x198: {  	v6 =	vmax.f32 v6, v50  }
0x199: {  	v6 =	vmul.f32 $1.442695020e+00, v6;
	_ =	sdelay $0x1  }
0x19a: {  	(erf) = vpow2.f32 v6;
	_ =	sdelay $0x1  }
0x19b: {  	s11 =	simm.s32 $0x0  }
0x19c: {  	v51 =	vmov s11  }
0x19d: {  	v6 =	vshll.u32 v51, $0x2  }
0x19e: {  	v6 =	vor.u32 v1, v6;
	_ =	sdelay $0x1  }
0x19f: {  	v52 =	vor.u32 $0x1, v3  }
0x1a0: {  	v53 =	vor.u32 $0x5, v5  }
0x1a1: {  	v9 =	vpop (erf)  }
0x1a2: {  	v10 =	vor.u32 $0x1, v4;
	[tilespmem:v6+s4+$0x0] =	vst.idx.msk $0xffff, v9  }
0x1a3: {  	[tilespmem:v2+s5+$0x0] =	vst.idx.add.f32.msk $0xffff, v9  }
0x1a4: {  	v7 =	vld.idx.msk [tilespmem:v52+s7+$0x0], $0xffff  }
0x1a5: {  	v8 =	vld.idx.msk [tilespmem:v53+s7+$0x0], $0xffff;
	_ =	sdelay $0x1  }
0x1a6: {  	v9 =	vld.idx.msk [tilespmem:v10+s23+$0x0], $0xffff;
	_ =	sdelay $0x2  }
0x1a7: {  	v7 =	vadd.f32 v8, v7;
	_ =	sdelay $0x1  }
0x1a8: {  	v7 =	vadd.f32 v9, v7;
	_ =	sdelay $0x1  }
0x1a9: {  	v54 =	vmul.f32 $2.000000030e-01, v7;
	_ =	sdelay $0x1  }
0x1aa: {  	v7 =	vmax.f32 v7, v54  }
0x1ab: {  	v7 =	vmul.f32 $1.442695020e+00, v7;
	_ =	sdelay $0x1  }
0x1ac: {  	(erf) = vpow2.f32 v7;
	_ =	sdelay $0x4  }
0x1ad: {  	v55 =	vor.u32 $0x1, v6  }
0x1ae: {  	v56 =	vadd.s32 $0x2710, v2  }
0x1af: {  	v57 =	vor.u32 $0x2, v3  }
0x1b0: {  	v58 =	vor.u32 $0x6, v5  }
0x1b1: {  	v11 =	vpop (erf)  }
0x1b2: {  	v59 =	vor.u32 $0x2, v4;
	[tilespmem:v55+s4+$0x0] =	vst.idx.msk $0xffff, v11  }
0x1b3: {  	[tilespmem:v56+s5+$0x0] =	vst.idx.add.f32.msk $0xffff, v11  }
0x1b4: {  	v8 =	vld.idx.msk [tilespmem:v57+s7+$0x0], $0xffff  }
0x1b5: {  	v60 =	vld.idx.msk [tilespmem:v58+s7+$0x0], $0xffff;
	_ =	sdelay $0x1  }
0x1b6: {  	v7 =	vld.idx.msk [tilespmem:v59+s23+$0x0], $0xffff;
	_ =	sdelay $0x2  }
0x1b7: {  	v8 =	vadd.f32 v60, v8;
	_ =	sdelay $0x1  }
0x1b8: {  	v7 =	vadd.f32 v7, v8;
	_ =	sdelay $0x1  }
0x1b9: {  	v8 =	vmul.f32 $2.000000030e-01, v7;
	_ =	sdelay $0x1  }
0x1ba: {  	v7 =	vmax.f32 v7, v8  }
0x1bb: {  	v7 =	vmul.f32 $1.442695020e+00, v7;
	_ =	sdelay $0x1  }
0x1bc: {  	(erf) = vpow2.f32 v7;
	_ =	sdelay $0x4  }
0x1bd: {  	v61 =	vor.u32 $0x2, v6  }
0x1be: {  	v62 =	vadd.s32 $0x4E20, v2  }
0x1bf: {  	v3 =	vor.u32 $0x3, v3  }
0x1c0: {  	v5 =	vor.u32 $0x7, v5  }
0x1c1: {  	v63 =	vpop (erf)  }
0x1c2: {  	v4 =	vor.u32 $0x3, v4;
	[tilespmem:v61+s4+$0x0] =	vst.idx.msk $0xffff, v63  }
0x1c3: {  	[tilespmem:v62+s5+$0x0] =	vst.idx.add.f32.msk $0xffff, v63  }
0x1c4: {  	v3 =	vld.idx.msk [tilespmem:v3+s7+$0x0], $0xffff  }
0x1c5: {  	v5 =	vld.idx.msk [tilespmem:v5+s7+$0x0], $0xffff;
	_ =	sdelay $0x1  }
0x1c6: {  	v4 =	vld.idx.msk [tilespmem:v4+s23+$0x0], $0xffff;
	_ =	sdelay $0x2  }
0x1c7: {  	v3 =	vadd.f32 v5, v3;
	_ =	sdelay $0x1  }
0x1c8: {  	v3 =	vadd.f32 v4, v3;
	_ =	sdelay $0x1  }
0x1c9: {  	v4 =	vmul.f32 $2.000000030e-01, v3;
	_ =	sdelay $0x1  }
0x1ca: {  	v3 =	vmax.f32 v3, v4  }
0x1cb: {  	v3 =	vmul.f32 $1.442695020e+00, v3;
	_ =	sdelay $0x1  }
0x1cc: {  	(erf) = vpow2.f32 v3;
	_ =	sdelay $0x4  }
0x1cd: {  	v3 =	vor.u32 $0x3, v6  }
0x1ce: {  	s11 =	simm.s32 $0x10;
	v2 =	vadd.s32 $0x7530, v2  }
.LBB2_11:
0x1cf: {  	s15 =	sadd.s32 $0x10, s15;
	s14 =	sadd.s32 $0x10, s14;
	s16 =	sadd.s32 $0x10, s16  }
0x1d0: {  	p0 =	sne.s32 s11, $0x40;
	s12 =	smov.u32 s11;
	s11 =	sadd.s32 $0x10, s11  }
0x1d1: {  	v4 =	vpop (erf)  }
0x1d2: {  	[tilespmem:v3+s4+$0x0] =	vst.idx.msk $0xffff, v4  }
0x1d3: {  	[tilespmem:v2+s5+$0x0] =	vst.idx.add.f32.msk $0xffff, v4  }
0x1d4: {  	v2 =	vld [tilespmem:s14+$0x0]  }
0x1d5: {  	v4 =	vld [tilespmem:s15+$0x0];
	_ =	sdelay $0x2  }
0x1d6: {  	v6 =	vld [tilespmem:s16+$0x0]  }
0x1d7: {  	v3 =	vshll.u32 v2, $0x3  }
0x1d8: {  	v5 =	vshll.u32 v4, $0x3;
	v4 =	vor.u32 $0x4, v3;
	_ =	sdelay $0x2  }
0x1d9: {  	v6 =	vshll.u32 v6, $0x2;
	_ =	sdelay $0x1  }
0x1da: {  	v4 =	vld.idx.msk [tilespmem:v4+s7+$0x0], $0xffff  }
0x1db: {  	v7 =	vld.idx.msk [tilespmem:v5+s7+$0x0], $0xffff;
	_ =	sdelay $0x1  }
0x1dc: {  	v8 =	vld.idx.msk [tilespmem:v6+s23+$0x0], $0xffff;
	_ =	sdelay $0x3  }
0x1dd: {  	v4 =	vadd.f32 v4, v7;
	_ =	sdelay $0x1  }
0x1de: {  	v4 =	vadd.f32 v8, v4;
	_ =	sdelay $0x1  }
0x1df: {  	v7 =	vmul.f32 $2.000000030e-01, v4;
	_ =	sdelay $0x1  }
0x1e0: {  	v4 =	vmax.f32 v4, v7  }
0x1e1: {  	v4 =	vmul.f32 $1.442695020e+00, v4;
	_ =	sdelay $0x1  }
0x1e2: {  	(erf) = vpow2.f32 v4;
	_ =	sdelay $0x2  }
0x1e3: {  	v4 =	vmov s12  }
0x1e4: {  	v4 =	vshll.u32 v4, $0x2  }
0x1e5: {  	v4 =	vor.u32 v1, v4;
	_ =	sdelay $0x1  }
0x1e6: {  	v7 =	vor.u32 $0x1, v5  }
0x1e7: {  	v8 =	vor.u32 $0x5, v3  }
0x1e8: {  	v9 =	vpop (erf)  }
0x1e9: {  	v10 =	vor.u32 $0x1, v6;
	[tilespmem:v4+s4+$0x0] =	vst.idx.msk $0xffff, v9  }
0x1ea: {  	[tilespmem:v2+s5+$0x0] =	vst.idx.add.f32.msk $0xffff, v9  }
0x1eb: {  	v7 =	vld.idx.msk [tilespmem:v7+s7+$0x0], $0xffff  }
0x1ec: {  	v8 =	vld.idx.msk [tilespmem:v8+s7+$0x0], $0xffff;
	_ =	sdelay $0x1  }
0x1ed: {  	v9 =	vld.idx.msk [tilespmem:v10+s23+$0x0], $0xffff;
	_ =	sdelay $0x3  }
0x1ee: {  	v7 =	vadd.f32 v8, v7;
	_ =	sdelay $0x1  }
0x1ef: {  	v7 =	vadd.f32 v9, v7;
	_ =	sdelay $0x1  }
0x1f0: {  	v8 =	vmul.f32 $2.000000030e-01, v7;
	_ =	sdelay $0x1  }
0x1f1: {  	v7 =	vmax.f32 v7, v8  }
0x1f2: {  	v7 =	vmul.f32 $1.442695020e+00, v7;
	_ =	sdelay $0x1  }
0x1f3: {  	(erf) = vpow2.f32 v7;
	_ =	sdelay $0x4  }
0x1f4: {  	v7 =	vor.u32 $0x1, v4  }
0x1f5: {  	v8 =	vadd.s32 $0x2710, v2  }
0x1f6: {  	v9 =	vor.u32 $0x2, v5  }
0x1f7: {  	v10 =	vor.u32 $0x6, v3  }
0x1f8: {  	v11 =	vpop (erf)  }
0x1f9: {  	[tilespmem:v7+s4+$0x0] =	vst.idx.msk $0xffff, v11;
	v7 =	vor.u32 $0x2, v6  }
0x1fa: {  	[tilespmem:v8+s5+$0x0] =	vst.idx.add.f32.msk $0xffff, v11  }
0x1fb: {  	v8 =	vld.idx.msk [tilespmem:v9+s7+$0x0], $0xffff  }
0x1fc: {  	v9 =	vld.idx.msk [tilespmem:v10+s7+$0x0], $0xffff;
	_ =	sdelay $0x1  }
0x1fd: {  	v7 =	vld.idx.msk [tilespmem:v7+s23+$0x0], $0xffff;
	_ =	sdelay $0x3  }
0x1fe: {  	v8 =	vadd.f32 v9, v8;
	_ =	sdelay $0x1  }
0x1ff: {  	v7 =	vadd.f32 v7, v8;
	_ =	sdelay $0x1  }
0x200: {  	v8 =	vmul.f32 $2.000000030e-01, v7;
	_ =	sdelay $0x1  }
0x201: {  	v7 =	vmax.f32 v7, v8  }
0x202: {  	v7 =	vmul.f32 $1.442695020e+00, v7;
	_ =	sdelay $0x1  }
0x203: {  	(erf) = vpow2.f32 v7;
	_ =	sdelay $0x4  }
0x204: {  	v7 =	vor.u32 $0x2, v4  }
0x205: {  	v8 =	vadd.s32 $0x4E20, v2  }
0x206: {  	v5 =	vor.u32 $0x3, v5  }
0x207: {  	v3 =	vor.u32 $0x7, v3  }
0x208: {  	v6 =	vor.u32 $0x3, v6;
	v9 =	vpop (erf)  }
0x209: {  	[tilespmem:v7+s4+$0x0] =	vst.idx.msk $0xffff, v9  }
0x20a: {  	[tilespmem:v8+s5+$0x0] =	vst.idx.add.f32.msk $0xffff, v9  }
0x20b: {  	v5 =	vld.idx.msk [tilespmem:v5+s7+$0x0], $0xffff  }
0x20c: {  	v3 =	vld.idx.msk [tilespmem:v3+s7+$0x0], $0xffff  }
0x20d: {  	v6 =	vld.idx.msk [tilespmem:v6+s23+$0x0], $0xffff;
	_ =	sdelay $0x4  }
0x20e: {  	v3 =	vadd.f32 v3, v5;
	_ =	sdelay $0x1  }
0x20f: {  	v3 =	vadd.f32 v6, v3;
	_ =	sdelay $0x1  }
0x210: {  	v5 =	vmul.f32 $2.000000030e-01, v3;
	_ =	sdelay $0x1  }
0x211: {  	v3 =	vmax.f32 v3, v5  }
0x212: {  	v3 =	vmul.f32 $1.442695020e+00, v3;
	_ =	sdelay $0x1  }
0x213: {  	(erf) = vpow2.f32 v3;
	_ =	sdelay $0x1  }
.Ltmp5:
0x214: {  	(pc) =	sbr.rel @p0 .LBB2_11-.Ltmp5, $3  }
0x215: {  	_ =	sdelay $0x1  }
0x216: {  	v3 =	vor.u32 $0x3, v4  }
0x217: {  	v2 =	vadd.s32 $0x7530, v2  }
0x218: {  	_ =	sdelay $0x2  }
0x219: {  	v4 =	vpop (erf)  }
0x21a: {  	[tilespmem:v3+s4+$0x0] =	vst.idx.msk $0xffff, v4  }
0x21b: {  	s11 =	rddreg [dreg:$0xe];
	s20 =	simm.s32 $0x4;
	[tilespmem:v2+s5+$0x0] =	vst.idx.add.f32.msk $0xffff, v4  }
0x21c: {  	[hbm4b:s11+s7] =	stream.linear.scatter [tilespmem:s4], [sflag:$0x3], $0x140, $0x38;
	[tilespmem:$0x1D9C0] =	vst v63  }
0x21d: {  	_ =	swait.ge [sflag:s20], $0x140  }
0x21e: {  	[sflag:s20] =	ssyncset.done $0x0  }
0x21f: {  	[sflag:s20] =	ssyncadd.s32 $0xFFFFFEC0  }
0x220: {  	_ =	swait.ge [sflag:s19], $0x140  }
0x221: {  	[sflag:s19] =	ssyncset.done $0x0  }
0x222: {  	s12 =	simm.s32 $0x5;
	s21 =	rddreg [dreg:$0xf];
	[sflag:s19] =	ssyncadd.s32 $0xFFFFFEC0  }
0x223: {  	[hbm4b:s21+s7] =	stream.linear.scatter [tilespmem:s5], [sflag:$0x5], $0x9C40, $0x38;
	[tilespmem:$0x1D9C0] =	vst v63  }
0x224: {  	_ =	swait.ge [sflag:s12], $0x9C40  }
0x225: {  	s13 =	sadd.s32 $0x1, s13;
	s22 =	rddreg [dreg:$0x10]  }
0x226: {  	p0 =	sne.s32 s13, s22  }
.Ltmp6:
0x227: {  	_ = 	snop;
	(pc) =	sbr.rel @p0 .LBB2_1-.Ltmp6, $3  }
0x228: {  	_ =	sdelay $0x1  }
0x229: {  	[sflag:s12] =	ssyncset.done $0x0  }
0x22a: {  	[sflag:s12] =	ssyncadd.s32 $0xFFFF63C0  }
0x22b: {  	_ =	sfence.sel $0x180000  }
0x22c: {  	[bflag:$0x0] =	sbarrier.arrive $0xFFFF  }
0x22d: {  	_ =	strace $0x90000047  }
0x22e: {  	s0 =	stileid.u32;
	[bflag:$0x2] =	sbarrier.arrive $0xFFFF  }
0x22f: {  	p0 =	sne.s32 s0, $0x0;
	s0 =	rddreg [dreg:$0x6]  }
0x230: {  	s0 =	sadd.s32 @!p0 $0x100000, s0  }
0x231: {  	[sflag:s0] =	ssyncadd.tile.s32 @!p0 $0x1;
	_ =	shalt  }
.Lfunc_end2:
_tile_overlayer_lowered:
.L_overlay_start_2:
0x232: {  	(tag) =	ssettag $0x2  }
0x233: {  	s0 =	rddreg [dreg:$0x0];
	s2 =	stileid.u32  }
0x234: {  	s1 =	rddreg [dreg:$0x1];
	p0 =	sne.s32 s2, $0x0  }
0x235: {  	s3 =	rddreg [dreg:$0x2];
	[bflag:$0x3] =	sbarrier.arrive $0xFFFF;
	s2 =	simm.s32 @!p0 $0x1C05  }
0x236: {  	[timem:s3], [sflag:s2] =	dma.local @!p0 [hbm:s0], s1  }
0x237: {  	s0 =	simm.s32 @!p0 $0x5  }
0x238: {  	_ =	swait.ge @!p0 [sflag:s0], s1  }
0x239: {  	s1 =	ssub.s32 @!p0 $0x0, s1;
	[sflag:s0] =	ssyncset.done @!p0 $0x0  }
0x23a: {  	[sflag:s0] =	ssyncadd.s32 @!p0 s1  }
0x23b: {  	[bflag:$0x3] =	sbarrier.arrive $0xFFFF  }
0x23c: {  	_ =	shalt  }

</sc_bundles>
